<compile_context>
chip_gen: v7x
topology: tpu7x:2x2x1
jax: 0.10.2.dev20260603
libtpu: 0.0.44.dev20260713+nightly
codegen_flags: <defaults>
</compile_context>

<pallas_src>
import jax
import jax.numpy as jnp
from jax import lax
from jax.experimental import pallas as pl
from jax.experimental.pallas import tpu as pltpu
from jax.experimental.pallas import tpu_sc as plsc

N = 10000
E = 320000
D = 128
NC = 2
NS = 16
NWORK = NC * NS
BA = 128
CH = 16
TOT_ROWS = 2560
RPW0 = 128
RPW1 = 32
OFF1 = NS * RPW0
HB = 64
HROWS = 160
HCH = 16
E_PAD = TOT_ROWS * BA
NP = 10240
RPT = NP // NS

_mesh = plsc.VectorSubcoreMesh(
    core_axis_name="c", subcore_axis_name="s", num_cores=NC, num_subcores=NS
)


def _hist_body(dst_rows, out, dst_v, hist):
    c = lax.axis_index("c")
    s = lax.axis_index("s")
    w = s * NC + c

    def zbody(i, carry):
        hist[pl.ds(i * 16, 16)] = jnp.zeros((16,), jnp.float32)
        return carry

    lax.fori_loop(0, NP // 16, zbody, 0)
    ones = jnp.ones((16,), jnp.float32)

    def chunk(ci, carry):
        pltpu.sync_copy(dst_rows.at[pl.ds(w * HROWS + ci * HCH, HCH)], dst_v)

        def body(j, carry2):
            def inner(kk, carry3):
                idx = dst_v[j, pl.ds(kk * 16, 16)]
                plsc.addupdate_scatter(hist, (idx,), ones)
                return carry3

            lax.fori_loop(0, HB // 16, inner, 0)
            return carry2

        lax.fori_loop(0, HCH, body, 0)
        return carry

    lax.fori_loop(0, HROWS // HCH, chunk, 0)
    pltpu.sync_copy(hist, out.at[w])


_hist_sc = pl.kernel(
    _hist_body,
    mesh=_mesh,
    out_type=jax.ShapeDtypeStruct((NWORK, NP), jnp.float32),
    scratch_types=[
        pltpu.VMEM((HCH, HB), jnp.int32),
        pltpu.VMEM((NP,), jnp.float32),
    ],
    compiler_params=pltpu.CompilerParams(needs_layout_passes=False),
)


def _agg_body(gat_rows, sct_rows, table_hbm, z_hbm, out, gat_c, sct_c,
              rows0, rows1, acc_sh, sem0, sem1):
    c = lax.axis_index("c")
    s = lax.axis_index("s")
    pltpu.sync_copy(z_hbm.at[pl.ds(s * RPT, RPT)], acc_sh.at[pl.ds(s * RPT, RPT)])
    plsc.subcore_barrier()

    def chunk_body_at(row_base, ci, carry):
        base = row_base + ci * CH
        pltpu.sync_copy(gat_rows.at[pl.ds(base, CH)], gat_c)
        pltpu.sync_copy(sct_rows.at[pl.ds(base, CH)], sct_c)
        pltpu.async_copy(table_hbm.at[gat_c.at[0]], rows0, sem0)

        def body(t, carry2):
            j0 = 2 * t
            pltpu.make_async_copy(table_hbm.at[gat_c.at[j0]], rows0, sem0).wait()
            pltpu.async_copy(table_hbm.at[gat_c.at[j0 + 1]], rows1, sem1)
            pltpu.sync_copy(rows0, acc_sh.at[sct_c.at[j0]], add=True)
            pltpu.make_async_copy(table_hbm.at[gat_c.at[j0 + 1]], rows1, sem1).wait()

            @pl.when(j0 + 2 < CH)
            def _():
                pltpu.async_copy(
                    table_hbm.at[gat_c.at[jnp.minimum(j0 + 2, CH - 1)]], rows0, sem0
                )

            pltpu.sync_copy(rows1, acc_sh.at[sct_c.at[j0 + 1]], add=True)
            return carry2

        lax.fori_loop(0, CH // 2, body, 0)
        return carry

    @pl.when(c == 0)
    def _():
        lax.fori_loop(
            0, RPW0 // CH, lambda ci, cr: chunk_body_at(s * RPW0, ci, cr), 0
        )

    @pl.when(c == 1)
    def _():
        lax.fori_loop(
            0, RPW1 // CH, lambda ci, cr: chunk_body_at(OFF1 + s * RPW1, ci, cr), 0
        )

    plsc.subcore_barrier()
    pltpu.sync_copy(acc_sh.at[pl.ds(s * RPT, RPT)], out.at[c, pl.ds(s * RPT, RPT)])


_agg_sc = pl.kernel(
    _agg_body,
    mesh=_mesh,
    out_type=jax.ShapeDtypeStruct((NC, NP, D), jnp.float32),
    scratch_types=[
        pltpu.VMEM((CH, BA), jnp.int32),
        pltpu.VMEM((CH, BA), jnp.int32),
        pltpu.VMEM((BA, D), jnp.float32),
        pltpu.VMEM((BA, D), jnp.float32),
        pltpu.VMEM_SHARED((NP, D), jnp.float32),
        pltpu.SemaphoreType.DMA,
        pltpu.SemaphoreType.DMA,
    ],
)


def _h_body(hist_ref, feat_ref, h_ref):
    deg = jnp.sum(hist_ref[...], axis=0)[:, None]
    norm = lax.rsqrt(jnp.maximum(deg, 1.0))
    h_ref[...] = feat_ref[...] * norm


def _out_body(hist_ref, p_ref, wc_ref, bc_ref, wl_ref, bl_ref, o_ref):
    deg = jnp.sum(hist_ref[...], axis=0)[:, None]
    norm = lax.rsqrt(jnp.maximum(deg, 1.0))
    a = (p_ref[0] + p_ref[1]) * norm
    h1 = jnp.dot(a, wc_ref[...], preferred_element_type=jnp.float32) + bc_ref[...]
    h1 = jnp.maximum(h1, 0.0)
    h2 = jnp.dot(h1, wl_ref[...], preferred_element_type=jnp.float32) + bl_ref[...]
    o_ref[...] = jnp.maximum(h2, 0.0)


_BN = 512


def kernel(feat, edge_index, W_conv, b_conv, W_lin, b_lin):
    src = edge_index[0].astype(jnp.int32)
    dst = edge_index[1].astype(jnp.int32)
    pad = E_PAD - E
    src_p = jnp.concatenate([src, jnp.zeros((pad,), jnp.int32)])
    dst_p = jnp.concatenate([dst, jnp.full((pad,), N, jnp.int32)])
    src_rows = src_p.reshape(-1, BA)
    dst_rows = dst_p.reshape(-1, BA)
    feat_p = jnp.concatenate([feat, jnp.zeros((NP - N, D), jnp.float32)])
    z128 = jnp.zeros((NP, D), jnp.float32)

    hist = _hist_sc(dst_p.reshape(-1, HB))

    h = pl.pallas_call(
        _h_body,
        grid=(NP // _BN,),
        in_specs=[
            pl.BlockSpec((NWORK, _BN), lambda i: (0, i)),
            pl.BlockSpec((_BN, D), lambda i: (i, 0)),
        ],
        out_specs=pl.BlockSpec((_BN, D), lambda i: (i, 0)),
        out_shape=jax.ShapeDtypeStruct((NP, D), jnp.float32),
    )(hist, feat_p)

    agg_p = _agg_sc(src_rows, dst_rows, h, z128)

    out = pl.pallas_call(
        _out_body,
        grid=(NP // _BN,),
        in_specs=[
            pl.BlockSpec((NWORK, _BN), lambda i: (0, i)),
            pl.BlockSpec((NC, _BN, D), lambda i: (0, i, 0)),
            pl.BlockSpec((D, D), lambda i: (0, 0)),
            pl.BlockSpec((1, D), lambda i: (0, 0)),
            pl.BlockSpec((D, D), lambda i: (0, 0)),
            pl.BlockSpec((1, D), lambda i: (0, 0)),
        ],
        out_specs=pl.BlockSpec((_BN, D), lambda i: (i, 0)),
        out_shape=jax.ShapeDtypeStruct((NP, D), jnp.float32),
    )(hist, agg_p, W_conv.T, b_conv.reshape(1, D), W_lin.T, b_lin.reshape(1, D))

    return out[:N]

# --- scband reference (transcript-rebuilt; emitter-appended) ---
"""Pipeline reference for scband-my-sgconv-11622181503641 (READ-ONLY COPY).

The authoritative reference and input builder live on the scoring server;
editing this copy changes nothing except your own understanding.
"""

import jax, jax.numpy as jnp
import numpy as np

N_NODES = 10000
N_EDGES = 320000
D_IN = 128
D_HID = 128
D_OUT = 128

def setup_inputs(seed: int = 0) -> dict:
    key = jax.random.key(seed)
    k1, k2, k3, k4, k5, k6 = jax.random.split(key, 6)
    feat = jax.random.normal(k1, (N_NODES, D_IN), dtype=jnp.float32)
    edge_index = jax.random.randint(k2, (2, N_EDGES), 0, N_NODES, dtype=jnp.int64)
    W_conv = jax.random.normal(k3, (D_OUT, D_IN), dtype=jnp.float32) * 0.05
    b_conv = jax.random.normal(k4, (D_OUT,), dtype=jnp.float32) * 0.05
    W_lin = jax.random.normal(k5, (D_OUT, D_HID), dtype=jnp.float32) * 0.05
    b_lin = jax.random.normal(k6, (D_OUT,), dtype=jnp.float32) * 0.05
    return {"feat": feat, "edge_index": edge_index, "W_conv": W_conv, "b_conv": b_conv, "W_lin": W_lin, "b_lin": b_lin}

def reference(feat, edge_index, W_conv, b_conv, W_lin, b_lin):
    # DGL SGConv with k=1: symmetric normalization by in-degree, sum aggregation, then fc.
    src = edge_index[0]
    dst = edge_index[1]
    deg = jnp.bincount(dst, length=N_NODES).astype(jnp.float32)
    deg = jnp.clip(deg, 1.0, None)
    norm = deg ** -0.5
    h = feat * norm[:, None]
    msgs = jnp.take(h, src, axis=0)
    agg = jax.ops.segment_sum(msgs, dst, num_segments=N_NODES)
    h = agg * norm[:, None]
    # SGConv internal fc
    h = h @ W_conv.T + b_conv
    h = jax.nn.relu(h)
    # outer linear
    h = h @ W_lin.T + b_lin
    h = jax.nn.relu(h)
    return h

if __name__ == "__main__":
    import jax
    _d = setup_inputs()
    print(jax.jit(kernel)(*tuple(_d.values())))

</pallas_src>

<mosaic_0001>
#map = affine_map<(d0, d1) -> (0, 0)>
module attributes {stable_mosaic.version = 14 : i64} {
  func.func @_hist_body(%arg0: i32, %arg1: i32, %arg2: memref<5120x64xi32, #tpu.memory_space<hbm>>, %arg3: memref<32x10240xf32, #tpu.memory_space<hbm>>, %arg4: memref<16x64xi32, #tpu.memory_space<vmem>>, %arg5: memref<10240xf32, #tpu.memory_space<vmem>>) attributes {dimension_semantics = [#tpu.dimension_semantics<core_parallel>, #tpu.dimension_semantics<subcore_parallel>], iteration_bounds = array<i64: 2, 16>, scalar_prefetch = 0 : i64, scratch_operands = 2 : i64, tpu.core_type = #tpu.core_type<sc_vector_subcore>, window_params = [{transform_indices = #map}, {transform_indices = #map}]} {
    %mul3A = arith.constant 2 : i32
    %mul3A_0 = arith.muli %arg1, %mul3A : i32
    %add3A = arith.addi %mul3A_0, %arg0 : i32
    %scan3A = arith.constant 0 : i32
    %scan3A_1 = arith.constant 0 : i32
    %scan3A_2 = arith.constant 640 : i32
    %scan3A_3 = arith.addi %scan3A_1, %scan3A_2 : i32
    %scan3A_4 = arith.constant 1 : i32
    scf.for %scan3A_13 = %scan3A_1 to %scan3A_3 step %scan3A_4  : i32 {
      %broadcast_in_dim3A_14 = arith.constant 0.000000e+00 : f32
      %broadcast_in_dim3A_15 = vector.broadcast %broadcast_in_dim3A_14 : f32 to vector<16xf32>
      %mul3A_16 = arith.constant 16 : i32
      %mul3A_17 = arith.muli %scan3A_13, %mul3A_16 : i32
      %swap3A = arith.index_cast %mul3A_17 : i32 to index
      %swap3A_18 = tpu.vector_load %arg5[%swap3A] {strides = array<i32>} : memref<10240xf32, #tpu.memory_space<vmem>>, vector<16xf32>,
      tpu.vector_store %arg5[%swap3A], %broadcast_in_dim3A_15 {strides = array<i32>} : memref<10240xf32, #tpu.memory_space<vmem>>, vector<16xf32>,
    }
    %scan3A_5 = arith.constant 640 : i32
    %broadcast_in_dim3A = arith.constant 1.000000e+00 : f32
    %broadcast_in_dim3A_6 = vector.broadcast %broadcast_in_dim3A : f32 to vector<16xf32>
    %scan3A_7 = arith.constant 0 : i32
    %scan3A_8 = arith.constant 0 : i32
    %scan3A_9 = arith.constant 10 : i32
    %scan3A_10 = arith.addi %scan3A_8, %scan3A_9 : i32
    %scan3A_11 = arith.constant 1 : i32
    scf.for %scan3A_13 = %scan3A_8 to %scan3A_10 step %scan3A_11  : i32 {
      %mul3A_14 = arith.constant 160 : i32
      %mul3A_15 = arith.muli %add3A, %mul3A_14 : i32
      %mul3A_16 = arith.constant 16 : i32
      %mul3A_17 = arith.muli %scan3A_13, %mul3A_16 : i32
      %add3A_18 = arith.addi %mul3A_15, %mul3A_17 : i32
      "tpu.region"() ({
        %run_scoped3A = tpu.sem_alloc : memref<!tpu.dma_semaphore, #tpu.memory_space<semaphore_mem>>
        %dma_start3A = arith.constant 0 : i32
        %dma_start3A_25 = tpu.memref_slice %arg2[%add3A_18, %dma_start3A] : memref<5120x64xi32, #tpu.memory_space<hbm>> -> memref<16x64xi32, #tpu.memory_space<hbm>>
        %dma_start3A_26 = arith.constant 0 : i32
        %dma_start3A_27 = tpu.memref_slice %arg2[%add3A_18, %dma_start3A_26] : memref<5120x64xi32, #tpu.memory_space<hbm>> -> memref<16x64xi32, #tpu.memory_space<hbm>>
        tpu.enqueue_dma source(%dma_start3A_27 : memref<16x64xi32, #tpu.memory_space<hbm>>) target(%arg4 : memref<16x64xi32, #tpu.memory_space<vmem>>) target_semaphore(%run_scoped3A : memref<!tpu.dma_semaphore, #tpu.memory_space<semaphore_mem>>)
        %dma_wait3A = arith.constant 0 : i32
        %dma_wait3A_28 = tpu.memref_slice %arg2[%add3A_18, %dma_wait3A] : memref<5120x64xi32, #tpu.memory_space<hbm>> -> memref<16x64xi32, #tpu.memory_space<hbm>>
        %dma_wait3A_29 = arith.constant 0 : i32
        %dma_wait3A_30 = tpu.memref_slice %arg2[%add3A_18, %dma_wait3A_29] : memref<5120x64xi32, #tpu.memory_space<hbm>> -> memref<16x64xi32, #tpu.memory_space<hbm>>
        tpu.wait_dma2 semaphore(%run_scoped3A : memref<!tpu.dma_semaphore, #tpu.memory_space<semaphore_mem>>) src(%dma_wait3A_30 : memref<16x64xi32, #tpu.memory_space<hbm>>) dst(%arg4 : memref<16x64xi32, #tpu.memory_space<vmem>>)
        tpu.yield
      }) : () -> ()
      %scan3A_19 = arith.constant 0 : i32
      %scan3A_20 = arith.constant 0 : i32
      %scan3A_21 = arith.constant 16 : i32
      %scan3A_22 = arith.addi %scan3A_20, %scan3A_21 : i32
      %scan3A_23 = arith.constant 1 : i32
      scf.for %scan3A_25 = %scan3A_20 to %scan3A_22 step %scan3A_23  : i32 {
        %scan3A_26 = arith.constant 0 : i32
        %scan3A_27 = arith.constant 0 : i32
        %scan3A_28 = arith.constant 4 : i32
        %scan3A_29 = arith.addi %scan3A_27, %scan3A_28 : i32
        %scan3A_30 = arith.constant 1 : i32
        scf.for %scan3A_32 = %scan3A_27 to %scan3A_29 step %scan3A_30  : i32 {
          %mul3A_33 = arith.constant 16 : i32
          %mul3A_34 = arith.muli %scan3A_32, %mul3A_33 : i32
          %get3A = arith.index_cast %scan3A_25 : i32 to index
          %get3A_35 = arith.index_cast %mul3A_34 : i32 to index
          %get3A_36 = tpu.vector_load %arg4[%get3A, %get3A_35] {strides = array<i32>} : memref<16x64xi32, #tpu.memory_space<vmem>>, vector<16xi32>,
          tpu.vector_store_idx %arg5[%get3A_36], %broadcast_in_dim3A_6 {add = true} : memref<10240xf32, #tpu.memory_space<vmem>>[vector<16xi32>], vector<16xf32>,
        }
        %scan3A_31 = arith.constant 4 : i32
      }
      %scan3A_24 = arith.constant 16 : i32
    }
    %scan3A_12 = arith.constant 10 : i32
    "tpu.region"() ({
      %run_scoped3A = tpu.sem_alloc : memref<!tpu.dma_semaphore, #tpu.memory_space<semaphore_mem>>
      %dma_start3A = arith.constant 0 : i32
      %dma_start3A_13 = tpu.memref_slice %arg3[%add3A, %dma_start3A] : memref<32x10240xf32, #tpu.memory_space<hbm>> -> memref<1x10240xf32, #tpu.memory_space<hbm>>
      %dma_start3A_14 = tpu.memref_squeeze %dma_start3A_13 : memref<1x10240xf32, #tpu.memory_space<hbm>> -> memref<10240xf32, #tpu.memory_space<hbm>>
      %dma_start3A_15 = arith.constant 0 : i32
      %dma_start3A_16 = tpu.memref_slice %arg3[%add3A, %dma_start3A_15] : memref<32x10240xf32, #tpu.memory_space<hbm>> -> memref<1x10240xf32, #tpu.memory_space<hbm>>
      %dma_start3A_17 = tpu.memref_squeeze %dma_start3A_16 : memref<1x10240xf32, #tpu.memory_space<hbm>> -> memref<10240xf32, #tpu.memory_space<hbm>>
      tpu.enqueue_dma source(%arg5 : memref<10240xf32, #tpu.memory_space<vmem>>) target(%dma_start3A_17 : memref<10240xf32, #tpu.memory_space<hbm>>) target_semaphore(%run_scoped3A : memref<!tpu.dma_semaphore, #tpu.memory_space<semaphore_mem>>)
      %dma_wait3A = arith.constant 0 : i32
      %dma_wait3A_18 = tpu.memref_slice %arg3[%add3A, %dma_wait3A] : memref<32x10240xf32, #tpu.memory_space<hbm>> -> memref<1x10240xf32, #tpu.memory_space<hbm>>
      %dma_wait3A_19 = tpu.memref_squeeze %dma_wait3A_18 : memref<1x10240xf32, #tpu.memory_space<hbm>> -> memref<10240xf32, #tpu.memory_space<hbm>>
      %dma_wait3A_20 = arith.constant 0 : i32
      %dma_wait3A_21 = tpu.memref_slice %arg3[%add3A, %dma_wait3A_20] : memref<32x10240xf32, #tpu.memory_space<hbm>> -> memref<1x10240xf32, #tpu.memory_space<hbm>>
      %dma_wait3A_22 = tpu.memref_squeeze %dma_wait3A_21 : memref<1x10240xf32, #tpu.memory_space<hbm>> -> memref<10240xf32, #tpu.memory_space<hbm>>
      tpu.wait_dma2 semaphore(%run_scoped3A : memref<!tpu.dma_semaphore, #tpu.memory_space<semaphore_mem>>) src(%arg5 : memref<10240xf32, #tpu.memory_space<vmem>>) dst(%dma_wait3A_22 : memref<10240xf32, #tpu.memory_space<hbm>>)
      tpu.yield
    }) : () -> ()
    return
  }
}

#map = affine_map<(d0, d1) -> (0, 0)>
#map1 = affine_map<(d0, d1) -> (0, 0, 0)>
module attributes {stable_mosaic.version = 14 : i64} {
  func.func @_agg_body(%arg0: i32, %arg1: i32, %arg2: memref<2560x128xi32, #tpu.memory_space<hbm>>, %arg3: memref<2560x128xi32, #tpu.memory_space<hbm>>, %arg4: memref<10240x128xf32, #tpu.memory_space<hbm>>, %arg5: memref<10240x128xf32, #tpu.memory_space<hbm>>, %arg6: memref<2x10240x128xf32, #tpu.memory_space<hbm>>, %arg7: memref<16x128xi32, #tpu.memory_space<vmem>>, %arg8: memref<16x128xi32, #tpu.memory_space<vmem>>, %arg9: memref<128x128xf32, #tpu.memory_space<vmem>>, %arg10: memref<128x128xf32, #tpu.memory_space<vmem>>, %arg11: memref<10240x128xf32, #tpu.memory_space<vmem_shared>>, %arg12: memref<!tpu.dma_semaphore, #tpu.memory_space<semaphore_mem>>, %arg13: memref<!tpu.dma_semaphore, #tpu.memory_space<semaphore_mem>>) attributes {dimension_semantics = [#tpu.dimension_semantics<core_parallel>, #tpu.dimension_semantics<subcore_parallel>], iteration_bounds = array<i64: 2, 16>, scalar_prefetch = 0 : i64, scratch_operands = 7 : i64, tpu.core_type = #tpu.core_type<sc_vector_subcore>, window_params = [{transform_indices = #map}, {transform_indices = #map}, {transform_indices = #map}, {transform_indices = #map}, {transform_indices = #map1}]} {
    %mul3A = arith.constant 640 : i32
    %mul3A_0 = arith.muli %arg1, %mul3A : i32
    %mul3A_1 = arith.constant 640 : i32
    %mul3A_2 = arith.muli %arg1, %mul3A_1 : i32
    "tpu.region"() ({
      %run_scoped3A = tpu.sem_alloc : memref<!tpu.dma_semaphore, #tpu.memory_space<semaphore_mem>>
      %dma_start3A = arith.constant 0 : i32
      %dma_start3A_15 = tpu.memref_slice %arg11[%mul3A_2, %dma_start3A] : memref<10240x128xf32, #tpu.memory_space<vmem_shared>> -> memref<640x128xf32, #tpu.memory_space<vmem_shared>>
      %dma_start3A_16 = arith.constant 0 : i32
      %dma_start3A_17 = tpu.memref_slice %arg5[%mul3A_0, %dma_start3A_16] : memref<10240x128xf32, #tpu.memory_space<hbm>> -> memref<640x128xf32, #tpu.memory_space<hbm>>
      tpu.enqueue_dma source(%dma_start3A_17 : memref<640x128xf32, #tpu.memory_space<hbm>>) target(%dma_start3A_15 : memref<640x128xf32, #tpu.memory_space<vmem_shared>>) target_semaphore(%run_scoped3A : memref<!tpu.dma_semaphore, #tpu.memory_space<semaphore_mem>>)
      %dma_wait3A = arith.constant 0 : i32
      %dma_wait3A_18 = tpu.memref_slice %arg11[%mul3A_2, %dma_wait3A] : memref<10240x128xf32, #tpu.memory_space<vmem_shared>> -> memref<640x128xf32, #tpu.memory_space<vmem_shared>>
      %dma_wait3A_19 = arith.constant 0 : i32
      %dma_wait3A_20 = tpu.memref_slice %arg5[%mul3A_0, %dma_wait3A_19] : memref<10240x128xf32, #tpu.memory_space<hbm>> -> memref<640x128xf32, #tpu.memory_space<hbm>>
      tpu.wait_dma2 semaphore(%run_scoped3A : memref<!tpu.dma_semaphore, #tpu.memory_space<semaphore_mem>>) src(%dma_wait3A_20 : memref<640x128xf32, #tpu.memory_space<hbm>>) dst(%dma_wait3A_18 : memref<640x128xf32, #tpu.memory_space<vmem_shared>>)
      tpu.yield
    }) : () -> ()
    %barrier3A = arith.constant 0 : index
    tpu.barrier barrier_id(%barrier3A)
    %eq3A = arith.constant 0 : i32
    %eq3A_3 = arith.cmpi eq, %arg0, %eq3A : i32
    %convert_element_type3A = arith.extui %eq3A_3 : i1 to i32
    %cond3A = arith.constant 0 : i32
    %cond3A_4 = arith.cmpi ne, %convert_element_type3A, %cond3A : i32
    scf.if %cond3A_4 {
      %scan3A = arith.constant 0 : i32
      %scan3A_15 = arith.constant 0 : i32
      %scan3A_16 = arith.constant 8 : i32
      %scan3A_17 = arith.addi %scan3A_15, %scan3A_16 : i32
      %scan3A_18 = arith.constant 1 : i32
      scf.for %scan3A_20 = %scan3A_15 to %scan3A_17 step %scan3A_18  : i32 {
        %mul3A_21 = arith.constant 128 : i32
        %mul3A_22 = arith.muli %arg1, %mul3A_21 : i32
        %mul3A_23 = arith.constant 16 : i32
        %mul3A_24 = arith.muli %scan3A_20, %mul3A_23 : i32
        %add3A = arith.addi %mul3A_22, %mul3A_24 : i32
        "tpu.region"() ({
          %run_scoped3A = tpu.sem_alloc : memref<!tpu.dma_semaphore, #tpu.memory_space<semaphore_mem>>
          %dma_start3A_37 = arith.constant 0 : i32
          %dma_start3A_38 = tpu.memref_slice %arg2[%add3A, %dma_start3A_37] : memref<2560x128xi32, #tpu.memory_space<hbm>> -> memref<16x128xi32, #tpu.memory_space<hbm>>
          %dma_start3A_39 = arith.constant 0 : i32
          %dma_start3A_40 = tpu.memref_slice %arg2[%add3A, %dma_start3A_39] : memref<2560x128xi32, #tpu.memory_space<hbm>> -> memref<16x128xi32, #tpu.memory_space<hbm>>
          tpu.enqueue_dma source(%dma_start3A_40 : memref<16x128xi32, #tpu.memory_space<hbm>>) target(%arg7 : memref<16x128xi32, #tpu.memory_space<vmem>>) target_semaphore(%run_scoped3A : memref<!tpu.dma_semaphore, #tpu.memory_space<semaphore_mem>>)
          %dma_wait3A = arith.constant 0 : i32
          %dma_wait3A_41 = tpu.memref_slice %arg2[%add3A, %dma_wait3A] : memref<2560x128xi32, #tpu.memory_space<hbm>> -> memref<16x128xi32, #tpu.memory_space<hbm>>
          %dma_wait3A_42 = arith.constant 0 : i32
          %dma_wait3A_43 = tpu.memref_slice %arg2[%add3A, %dma_wait3A_42] : memref<2560x128xi32, #tpu.memory_space<hbm>> -> memref<16x128xi32, #tpu.memory_space<hbm>>
          tpu.wait_dma2 semaphore(%run_scoped3A : memref<!tpu.dma_semaphore, #tpu.memory_space<semaphore_mem>>) src(%dma_wait3A_43 : memref<16x128xi32, #tpu.memory_space<hbm>>) dst(%arg7 : memref<16x128xi32, #tpu.memory_space<vmem>>)
          tpu.yield
        }) : () -> ()
        "tpu.region"() ({
          %run_scoped3A = tpu.sem_alloc : memref<!tpu.dma_semaphore, #tpu.memory_space<semaphore_mem>>
          %dma_start3A_37 = arith.constant 0 : i32
          %dma_start3A_38 = tpu.memref_slice %arg3[%add3A, %dma_start3A_37] : memref<2560x128xi32, #tpu.memory_space<hbm>> -> memref<16x128xi32, #tpu.memory_space<hbm>>
          %dma_start3A_39 = arith.constant 0 : i32
          %dma_start3A_40 = tpu.memref_slice %arg3[%add3A, %dma_start3A_39] : memref<2560x128xi32, #tpu.memory_space<hbm>> -> memref<16x128xi32, #tpu.memory_space<hbm>>
          tpu.enqueue_dma source(%dma_start3A_40 : memref<16x128xi32, #tpu.memory_space<hbm>>) target(%arg8 : memref<16x128xi32, #tpu.memory_space<vmem>>) target_semaphore(%run_scoped3A : memref<!tpu.dma_semaphore, #tpu.memory_space<semaphore_mem>>)
          %dma_wait3A = arith.constant 0 : i32
          %dma_wait3A_41 = tpu.memref_slice %arg3[%add3A, %dma_wait3A] : memref<2560x128xi32, #tpu.memory_space<hbm>> -> memref<16x128xi32, #tpu.memory_space<hbm>>
          %dma_wait3A_42 = arith.constant 0 : i32
          %dma_wait3A_43 = tpu.memref_slice %arg3[%add3A, %dma_wait3A_42] : memref<2560x128xi32, #tpu.memory_space<hbm>> -> memref<16x128xi32, #tpu.memory_space<hbm>>
          tpu.wait_dma2 semaphore(%run_scoped3A : memref<!tpu.dma_semaphore, #tpu.memory_space<semaphore_mem>>) src(%dma_wait3A_43 : memref<16x128xi32, #tpu.memory_space<hbm>>) dst(%arg8 : memref<16x128xi32, #tpu.memory_space<vmem>>)
          tpu.yield
        }) : () -> ()
        %dma_start3A = arith.constant 0 : i32
        %dma_start3A_25 = arith.constant 0 : i32
        %dma_start3A_26 = tpu.memref_slice %arg7[%dma_start3A, %dma_start3A_25] : memref<16x128xi32, #tpu.memory_space<vmem>> -> memref<1x128xi32, #tpu.memory_space<vmem>>
        %dma_start3A_27 = tpu.memref_squeeze %dma_start3A_26 : memref<1x128xi32, #tpu.memory_space<vmem>> -> memref<128xi32, #tpu.memory_space<vmem>>
        %dma_start3A_28 = arith.constant 0 : i32
        %dma_start3A_29 = arith.constant 0 : i32
        %dma_start3A_30 = tpu.memref_slice %arg4[%dma_start3A_28, %dma_start3A_29] : memref<10240x128xf32, #tpu.memory_space<hbm>> -> memref<10240x128xf32, #tpu.memory_space<hbm>>
        tpu.enqueue_indirect_dma source(%dma_start3A_30 : memref<10240x128xf32, #tpu.memory_space<hbm>>) target(%arg9 : memref<128x128xf32, #tpu.memory_space<vmem>>) offsets(%dma_start3A_27 : memref<128xi32, #tpu.memory_space<vmem>>) semaphore(%arg12 : memref<!tpu.dma_semaphore, #tpu.memory_space<semaphore_mem>>)
        %scan3A_31 = arith.constant 0 : i32
        %scan3A_32 = arith.constant 0 : i32
        %scan3A_33 = arith.constant 8 : i32
        %scan3A_34 = arith.addi %scan3A_32, %scan3A_33 : i32
        %scan3A_35 = arith.constant 1 : i32
        scf.for %scan3A_37 = %scan3A_32 to %scan3A_34 step %scan3A_35  : i32 {
          %mul3A_38 = arith.constant 2 : i32
          %mul3A_39 = arith.muli %mul3A_38, %scan3A_37 : i32
          %dma_wait3A = arith.constant 0 : i32
          %dma_wait3A_40 = tpu.memref_slice %arg7[%mul3A_39, %dma_wait3A] : memref<16x128xi32, #tpu.memory_space<vmem>> -> memref<1x128xi32, #tpu.memory_space<vmem>>
          %dma_wait3A_41 = tpu.memref_squeeze %dma_wait3A_40 : memref<1x128xi32, #tpu.memory_space<vmem>> -> memref<128xi32, #tpu.memory_space<vmem>>
          %dma_wait3A_42 = arith.constant 0 : i32
          %dma_wait3A_43 = arith.constant 0 : i32
          %dma_wait3A_44 = tpu.memref_slice %arg4[%dma_wait3A_42, %dma_wait3A_43] : memref<10240x128xf32, #tpu.memory_space<hbm>> -> memref<10240x128xf32, #tpu.memory_space<hbm>>
          tpu.wait_indirect_dma semaphore(%arg12 : memref<!tpu.dma_semaphore, #tpu.memory_space<semaphore_mem>>) src(%dma_wait3A_44 : memref<10240x128xf32, #tpu.memory_space<hbm>>) dst(%arg9 : memref<128x128xf32, #tpu.memory_space<vmem>>)
          %add3A_45 = arith.constant 1 : i32
          %add3A_46 = arith.addi %mul3A_39, %add3A_45 : i32
          %dma_start3A_47 = arith.constant 0 : i32
          %dma_start3A_48 = tpu.memref_slice %arg7[%add3A_46, %dma_start3A_47] : memref<16x128xi32, #tpu.memory_space<vmem>> -> memref<1x128xi32, #tpu.memory_space<vmem>>
          %dma_start3A_49 = tpu.memref_squeeze %dma_start3A_48 : memref<1x128xi32, #tpu.memory_space<vmem>> -> memref<128xi32, #tpu.memory_space<vmem>>
          %dma_start3A_50 = arith.constant 0 : i32
          %dma_start3A_51 = arith.constant 0 : i32
          %dma_start3A_52 = tpu.memref_slice %arg4[%dma_start3A_50, %dma_start3A_51] : memref<10240x128xf32, #tpu.memory_space<hbm>> -> memref<10240x128xf32, #tpu.memory_space<hbm>>
          tpu.enqueue_indirect_dma source(%dma_start3A_52 : memref<10240x128xf32, #tpu.memory_space<hbm>>) target(%arg10 : memref<128x128xf32, #tpu.memory_space<vmem>>) offsets(%dma_start3A_49 : memref<128xi32, #tpu.memory_space<vmem>>) semaphore(%arg13 : memref<!tpu.dma_semaphore, #tpu.memory_space<semaphore_mem>>)
          "tpu.region"() ({
            %run_scoped3A = tpu.sem_alloc : memref<!tpu.dma_semaphore, #tpu.memory_space<semaphore_mem>>
            %dma_start3A_69 = arith.constant 0 : i32
            %dma_start3A_70 = tpu.memref_slice %arg8[%mul3A_39, %dma_start3A_69] : memref<16x128xi32, #tpu.memory_space<vmem>> -> memref<1x128xi32, #tpu.memory_space<vmem>>
            %dma_start3A_71 = tpu.memref_squeeze %dma_start3A_70 : memref<1x128xi32, #tpu.memory_space<vmem>> -> memref<128xi32, #tpu.memory_space<vmem>>
            %dma_start3A_72 = arith.constant 0 : i32
            %dma_start3A_73 = arith.constant 0 : i32
            %dma_start3A_74 = tpu.memref_slice %arg11[%dma_start3A_72, %dma_start3A_73] : memref<10240x128xf32, #tpu.memory_space<vmem_shared>> -> memref<10240x128xf32, #tpu.memory_space<vmem_shared>>
            tpu.enqueue_indirect_dma source(%arg9 : memref<128x128xf32, #tpu.memory_space<vmem>>) target(%dma_start3A_74 : memref<10240x128xf32, #tpu.memory_space<vmem_shared>>) offsets(%dma_start3A_71 : memref<128xi32, #tpu.memory_space<vmem>>) semaphore(%run_scoped3A : memref<!tpu.dma_semaphore, #tpu.memory_space<semaphore_mem>>) {add = true}
            %dma_wait3A_75 = arith.constant 0 : i32
            %dma_wait3A_76 = tpu.memref_slice %arg8[%mul3A_39, %dma_wait3A_75] : memref<16x128xi32, #tpu.memory_space<vmem>> -> memref<1x128xi32, #tpu.memory_space<vmem>>
            %dma_wait3A_77 = tpu.memref_squeeze %dma_wait3A_76 : memref<1x128xi32, #tpu.memory_space<vmem>> -> memref<128xi32, #tpu.memory_space<vmem>>
            %dma_wait3A_78 = arith.constant 0 : i32
            %dma_wait3A_79 = arith.constant 0 : i32
            %dma_wait3A_80 = tpu.memref_slice %arg11[%dma_wait3A_78, %dma_wait3A_79] : memref<10240x128xf32, #tpu.memory_space<vmem_shared>> -> memref<10240x128xf32, #tpu.memory_space<vmem_shared>>
            tpu.wait_indirect_dma semaphore(%run_scoped3A : memref<!tpu.dma_semaphore, #tpu.memory_space<semaphore_mem>>) src(%arg9 : memref<128x128xf32, #tpu.memory_space<vmem>>) dst(%dma_wait3A_80 : memref<10240x128xf32, #tpu.memory_space<vmem_shared>>)
            tpu.yield
          }) : () -> ()
          %add3A_53 = arith.constant 1 : i32
          %add3A_54 = arith.addi %mul3A_39, %add3A_53 : i32
          %dma_wait3A_55 = arith.constant 0 : i32
          %dma_wait3A_56 = tpu.memref_slice %arg7[%add3A_54, %dma_wait3A_55] : memref<16x128xi32, #tpu.memory_space<vmem>> -> memref<1x128xi32, #tpu.memory_space<vmem>>
          %dma_wait3A_57 = tpu.memref_squeeze %dma_wait3A_56 : memref<1x128xi32, #tpu.memory_space<vmem>> -> memref<128xi32, #tpu.memory_space<vmem>>
          %dma_wait3A_58 = arith.constant 0 : i32
          %dma_wait3A_59 = arith.constant 0 : i32
          %dma_wait3A_60 = tpu.memref_slice %arg4[%dma_wait3A_58, %dma_wait3A_59] : memref<10240x128xf32, #tpu.memory_space<hbm>> -> memref<10240x128xf32, #tpu.memory_space<hbm>>
          tpu.wait_indirect_dma semaphore(%arg13 : memref<!tpu.dma_semaphore, #tpu.memory_space<semaphore_mem>>) src(%dma_wait3A_60 : memref<10240x128xf32, #tpu.memory_space<hbm>>) dst(%arg10 : memref<128x128xf32, #tpu.memory_space<vmem>>)
          %add3A_61 = arith.constant 2 : i32
          %add3A_62 = arith.addi %mul3A_39, %add3A_61 : i32
          %lt3A = arith.constant 16 : i32
          %lt3A_63 = arith.cmpi slt, %add3A_62, %lt3A : i32
          %convert_element_type3A_64 = arith.extui %lt3A_63 : i1 to i32
          %cond3A_65 = arith.constant 0 : i32
          %cond3A_66 = arith.cmpi ne, %convert_element_type3A_64, %cond3A_65 : i32
          scf.if %cond3A_66 {
            %add3A_69 = arith.constant 2 : i32
            %add3A_70 = arith.addi %mul3A_39, %add3A_69 : i32
            %min3A = arith.constant 15 : i32
            %min3A_71 = arith.minsi %add3A_70, %min3A : i32
            %dma_start3A_72 = arith.constant 0 : i32
            %dma_start3A_73 = tpu.memref_slice %arg7[%min3A_71, %dma_start3A_72] : memref<16x128xi32, #tpu.memory_space<vmem>> -> memref<1x128xi32, #tpu.memory_space<vmem>>
            %dma_start3A_74 = tpu.memref_squeeze %dma_start3A_73 : memref<1x128xi32, #tpu.memory_space<vmem>> -> memref<128xi32, #tpu.memory_space<vmem>>
            %dma_start3A_75 = arith.constant 0 : i32
            %dma_start3A_76 = arith.constant 0 : i32
            %dma_start3A_77 = tpu.memref_slice %arg4[%dma_start3A_75, %dma_start3A_76] : memref<10240x128xf32, #tpu.memory_space<hbm>> -> memref<10240x128xf32, #tpu.memory_space<hbm>>
            tpu.enqueue_indirect_dma source(%dma_start3A_77 : memref<10240x128xf32, #tpu.memory_space<hbm>>) target(%arg9 : memref<128x128xf32, #tpu.memory_space<vmem>>) offsets(%dma_start3A_74 : memref<128xi32, #tpu.memory_space<vmem>>) semaphore(%arg12 : memref<!tpu.dma_semaphore, #tpu.memory_space<semaphore_mem>>)
          } else {
          }
          %add3A_67 = arith.constant 1 : i32
          %add3A_68 = arith.addi %mul3A_39, %add3A_67 : i32
          "tpu.region"() ({
            %run_scoped3A = tpu.sem_alloc : memref<!tpu.dma_semaphore, #tpu.memory_space<semaphore_mem>>
            %dma_start3A_69 = arith.constant 0 : i32
            %dma_start3A_70 = tpu.memref_slice %arg8[%add3A_68, %dma_start3A_69] : memref<16x128xi32, #tpu.memory_space<vmem>> -> memref<1x128xi32, #tpu.memory_space<vmem>>
            %dma_start3A_71 = tpu.memref_squeeze %dma_start3A_70 : memref<1x128xi32, #tpu.memory_space<vmem>> -> memref<128xi32, #tpu.memory_space<vmem>>
            %dma_start3A_72 = arith.constant 0 : i32
            %dma_start3A_73 = arith.constant 0 : i32
            %dma_start3A_74 = tpu.memref_slice %arg11[%dma_start3A_72, %dma_start3A_73] : memref<10240x128xf32, #tpu.memory_space<vmem_shared>> -> memref<10240x128xf32, #tpu.memory_space<vmem_shared>>
            tpu.enqueue_indirect_dma source(%arg10 : memref<128x128xf32, #tpu.memory_space<vmem>>) target(%dma_start3A_74 : memref<10240x128xf32, #tpu.memory_space<vmem_shared>>) offsets(%dma_start3A_71 : memref<128xi32, #tpu.memory_space<vmem>>) semaphore(%run_scoped3A : memref<!tpu.dma_semaphore, #tpu.memory_space<semaphore_mem>>) {add = true}
            %dma_wait3A_75 = arith.constant 0 : i32
            %dma_wait3A_76 = tpu.memref_slice %arg8[%add3A_68, %dma_wait3A_75] : memref<16x128xi32, #tpu.memory_space<vmem>> -> memref<1x128xi32, #tpu.memory_space<vmem>>
            %dma_wait3A_77 = tpu.memref_squeeze %dma_wait3A_76 : memref<1x128xi32, #tpu.memory_space<vmem>> -> memref<128xi32, #tpu.memory_space<vmem>>
            %dma_wait3A_78 = arith.constant 0 : i32
            %dma_wait3A_79 = arith.constant 0 : i32
            %dma_wait3A_80 = tpu.memref_slice %arg11[%dma_wait3A_78, %dma_wait3A_79] : memref<10240x128xf32, #tpu.memory_space<vmem_shared>> -> memref<10240x128xf32, #tpu.memory_space<vmem_shared>>
            tpu.wait_indirect_dma semaphore(%run_scoped3A : memref<!tpu.dma_semaphore, #tpu.memory_space<semaphore_mem>>) src(%arg10 : memref<128x128xf32, #tpu.memory_space<vmem>>) dst(%dma_wait3A_80 : memref<10240x128xf32, #tpu.memory_space<vmem_shared>>)
            tpu.yield
          }) : () -> ()
        }
        %scan3A_36 = arith.constant 8 : i32
      }
      %scan3A_19 = arith.constant 8 : i32
    } else {
    }
    %eq3A_5 = arith.constant 1 : i32
    %eq3A_6 = arith.cmpi eq, %arg0, %eq3A_5 : i32
    %convert_element_type3A_7 = arith.extui %eq3A_6 : i1 to i32
    %cond3A_8 = arith.constant 0 : i32
    %cond3A_9 = arith.cmpi ne, %convert_element_type3A_7, %cond3A_8 : i32
    scf.if %cond3A_9 {
      %scan3A = arith.constant 0 : i32
      %scan3A_15 = arith.constant 0 : i32
      %scan3A_16 = arith.constant 2 : i32
      %scan3A_17 = arith.addi %scan3A_15, %scan3A_16 : i32
      %scan3A_18 = arith.constant 1 : i32
      scf.for %scan3A_20 = %scan3A_15 to %scan3A_17 step %scan3A_18  : i32 {
        %mul3A_21 = arith.constant 32 : i32
        %mul3A_22 = arith.muli %arg1, %mul3A_21 : i32
        %add3A = arith.constant 2048 : i32
        %add3A_23 = arith.addi %add3A, %mul3A_22 : i32
        %mul3A_24 = arith.constant 16 : i32
        %mul3A_25 = arith.muli %scan3A_20, %mul3A_24 : i32
        %add3A_26 = arith.addi %add3A_23, %mul3A_25 : i32
        "tpu.region"() ({
          %run_scoped3A = tpu.sem_alloc : memref<!tpu.dma_semaphore, #tpu.memory_space<semaphore_mem>>
          %dma_start3A_39 = arith.constant 0 : i32
          %dma_start3A_40 = tpu.memref_slice %arg2[%add3A_26, %dma_start3A_39] : memref<2560x128xi32, #tpu.memory_space<hbm>> -> memref<16x128xi32, #tpu.memory_space<hbm>>
          %dma_start3A_41 = arith.constant 0 : i32
          %dma_start3A_42 = tpu.memref_slice %arg2[%add3A_26, %dma_start3A_41] : memref<2560x128xi32, #tpu.memory_space<hbm>> -> memref<16x128xi32, #tpu.memory_space<hbm>>
          tpu.enqueue_dma source(%dma_start3A_42 : memref<16x128xi32, #tpu.memory_space<hbm>>) target(%arg7 : memref<16x128xi32, #tpu.memory_space<vmem>>) target_semaphore(%run_scoped3A : memref<!tpu.dma_semaphore, #tpu.memory_space<semaphore_mem>>)
          %dma_wait3A = arith.constant 0 : i32
          %dma_wait3A_43 = tpu.memref_slice %arg2[%add3A_26, %dma_wait3A] : memref<2560x128xi32, #tpu.memory_space<hbm>> -> memref<16x128xi32, #tpu.memory_space<hbm>>
          %dma_wait3A_44 = arith.constant 0 : i32
          %dma_wait3A_45 = tpu.memref_slice %arg2[%add3A_26, %dma_wait3A_44] : memref<2560x128xi32, #tpu.memory_space<hbm>> -> memref<16x128xi32, #tpu.memory_space<hbm>>
          tpu.wait_dma2 semaphore(%run_scoped3A : memref<!tpu.dma_semaphore, #tpu.memory_space<semaphore_mem>>) src(%dma_wait3A_45 : memref<16x128xi32, #tpu.memory_space<hbm>>) dst(%arg7 : memref<16x128xi32, #tpu.memory_space<vmem>>)
          tpu.yield
        }) : () -> ()
        "tpu.region"() ({
          %run_scoped3A = tpu.sem_alloc : memref<!tpu.dma_semaphore, #tpu.memory_space<semaphore_mem>>
          %dma_start3A_39 = arith.constant 0 : i32
          %dma_start3A_40 = tpu.memref_slice %arg3[%add3A_26, %dma_start3A_39] : memref<2560x128xi32, #tpu.memory_space<hbm>> -> memref<16x128xi32, #tpu.memory_space<hbm>>
          %dma_start3A_41 = arith.constant 0 : i32
          %dma_start3A_42 = tpu.memref_slice %arg3[%add3A_26, %dma_start3A_41] : memref<2560x128xi32, #tpu.memory_space<hbm>> -> memref<16x128xi32, #tpu.memory_space<hbm>>
          tpu.enqueue_dma source(%dma_start3A_42 : memref<16x128xi32, #tpu.memory_space<hbm>>) target(%arg8 : memref<16x128xi32, #tpu.memory_space<vmem>>) target_semaphore(%run_scoped3A : memref<!tpu.dma_semaphore, #tpu.memory_space<semaphore_mem>>)
          %dma_wait3A = arith.constant 0 : i32
          %dma_wait3A_43 = tpu.memref_slice %arg3[%add3A_26, %dma_wait3A] : memref<2560x128xi32, #tpu.memory_space<hbm>> -> memref<16x128xi32, #tpu.memory_space<hbm>>
          %dma_wait3A_44 = arith.constant 0 : i32
          %dma_wait3A_45 = tpu.memref_slice %arg3[%add3A_26, %dma_wait3A_44] : memref<2560x128xi32, #tpu.memory_space<hbm>> -> memref<16x128xi32, #tpu.memory_space<hbm>>
          tpu.wait_dma2 semaphore(%run_scoped3A : memref<!tpu.dma_semaphore, #tpu.memory_space<semaphore_mem>>) src(%dma_wait3A_45 : memref<16x128xi32, #tpu.memory_space<hbm>>) dst(%arg8 : memref<16x128xi32, #tpu.memory_space<vmem>>)
          tpu.yield
        }) : () -> ()
        %dma_start3A = arith.constant 0 : i32
        %dma_start3A_27 = arith.constant 0 : i32
        %dma_start3A_28 = tpu.memref_slice %arg7[%dma_start3A, %dma_start3A_27] : memref<16x128xi32, #tpu.memory_space<vmem>> -> memref<1x128xi32, #tpu.memory_space<vmem>>
        %dma_start3A_29 = tpu.memref_squeeze %dma_start3A_28 : memref<1x128xi32, #tpu.memory_space<vmem>> -> memref<128xi32, #tpu.memory_space<vmem>>
        %dma_start3A_30 = arith.constant 0 : i32
        %dma_start3A_31 = arith.constant 0 : i32
        %dma_start3A_32 = tpu.memref_slice %arg4[%dma_start3A_30, %dma_start3A_31] : memref<10240x128xf32, #tpu.memory_space<hbm>> -> memref<10240x128xf32, #tpu.memory_space<hbm>>
        tpu.enqueue_indirect_dma source(%dma_start3A_32 : memref<10240x128xf32, #tpu.memory_space<hbm>>) target(%arg9 : memref<128x128xf32, #tpu.memory_space<vmem>>) offsets(%dma_start3A_29 : memref<128xi32, #tpu.memory_space<vmem>>) semaphore(%arg12 : memref<!tpu.dma_semaphore, #tpu.memory_space<semaphore_mem>>)
        %scan3A_33 = arith.constant 0 : i32
        %scan3A_34 = arith.constant 0 : i32
        %scan3A_35 = arith.constant 8 : i32
        %scan3A_36 = arith.addi %scan3A_34, %scan3A_35 : i32
        %scan3A_37 = arith.constant 1 : i32
        scf.for %scan3A_39 = %scan3A_34 to %scan3A_36 step %scan3A_37  : i32 {
          %mul3A_40 = arith.constant 2 : i32
          %mul3A_41 = arith.muli %mul3A_40, %scan3A_39 : i32
          %dma_wait3A = arith.constant 0 : i32
          %dma_wait3A_42 = tpu.memref_slice %arg7[%mul3A_41, %dma_wait3A] : memref<16x128xi32, #tpu.memory_space<vmem>> -> memref<1x128xi32, #tpu.memory_space<vmem>>
          %dma_wait3A_43 = tpu.memref_squeeze %dma_wait3A_42 : memref<1x128xi32, #tpu.memory_space<vmem>> -> memref<128xi32, #tpu.memory_space<vmem>>
          %dma_wait3A_44 = arith.constant 0 : i32
          %dma_wait3A_45 = arith.constant 0 : i32
          %dma_wait3A_46 = tpu.memref_slice %arg4[%dma_wait3A_44, %dma_wait3A_45] : memref<10240x128xf32, #tpu.memory_space<hbm>> -> memref<10240x128xf32, #tpu.memory_space<hbm>>
          tpu.wait_indirect_dma semaphore(%arg12 : memref<!tpu.dma_semaphore, #tpu.memory_space<semaphore_mem>>) src(%dma_wait3A_46 : memref<10240x128xf32, #tpu.memory_space<hbm>>) dst(%arg9 : memref<128x128xf32, #tpu.memory_space<vmem>>)
          %add3A_47 = arith.constant 1 : i32
          %add3A_48 = arith.addi %mul3A_41, %add3A_47 : i32
          %dma_start3A_49 = arith.constant 0 : i32
          %dma_start3A_50 = tpu.memref_slice %arg7[%add3A_48, %dma_start3A_49] : memref<16x128xi32, #tpu.memory_space<vmem>> -> memref<1x128xi32, #tpu.memory_space<vmem>>
          %dma_start3A_51 = tpu.memref_squeeze %dma_start3A_50 : memref<1x128xi32, #tpu.memory_space<vmem>> -> memref<128xi32, #tpu.memory_space<vmem>>
          %dma_start3A_52 = arith.constant 0 : i32
          %dma_start3A_53 = arith.constant 0 : i32
          %dma_start3A_54 = tpu.memref_slice %arg4[%dma_start3A_52, %dma_start3A_53] : memref<10240x128xf32, #tpu.memory_space<hbm>> -> memref<10240x128xf32, #tpu.memory_space<hbm>>
          tpu.enqueue_indirect_dma source(%dma_start3A_54 : memref<10240x128xf32, #tpu.memory_space<hbm>>) target(%arg10 : memref<128x128xf32, #tpu.memory_space<vmem>>) offsets(%dma_start3A_51 : memref<128xi32, #tpu.memory_space<vmem>>) semaphore(%arg13 : memref<!tpu.dma_semaphore, #tpu.memory_space<semaphore_mem>>)
          "tpu.region"() ({
            %run_scoped3A = tpu.sem_alloc : memref<!tpu.dma_semaphore, #tpu.memory_space<semaphore_mem>>
            %dma_start3A_71 = arith.constant 0 : i32
            %dma_start3A_72 = tpu.memref_slice %arg8[%mul3A_41, %dma_start3A_71] : memref<16x128xi32, #tpu.memory_space<vmem>> -> memref<1x128xi32, #tpu.memory_space<vmem>>
            %dma_start3A_73 = tpu.memref_squeeze %dma_start3A_72 : memref<1x128xi32, #tpu.memory_space<vmem>> -> memref<128xi32, #tpu.memory_space<vmem>>
            %dma_start3A_74 = arith.constant 0 : i32
            %dma_start3A_75 = arith.constant 0 : i32
            %dma_start3A_76 = tpu.memref_slice %arg11[%dma_start3A_74, %dma_start3A_75] : memref<10240x128xf32, #tpu.memory_space<vmem_shared>> -> memref<10240x128xf32, #tpu.memory_space<vmem_shared>>
            tpu.enqueue_indirect_dma source(%arg9 : memref<128x128xf32, #tpu.memory_space<vmem>>) target(%dma_start3A_76 : memref<10240x128xf32, #tpu.memory_space<vmem_shared>>) offsets(%dma_start3A_73 : memref<128xi32, #tpu.memory_space<vmem>>) semaphore(%run_scoped3A : memref<!tpu.dma_semaphore, #tpu.memory_space<semaphore_mem>>) {add = true}
            %dma_wait3A_77 = arith.constant 0 : i32
            %dma_wait3A_78 = tpu.memref_slice %arg8[%mul3A_41, %dma_wait3A_77] : memref<16x128xi32, #tpu.memory_space<vmem>> -> memref<1x128xi32, #tpu.memory_space<vmem>>
            %dma_wait3A_79 = tpu.memref_squeeze %dma_wait3A_78 : memref<1x128xi32, #tpu.memory_space<vmem>> -> memref<128xi32, #tpu.memory_space<vmem>>
            %dma_wait3A_80 = arith.constant 0 : i32
            %dma_wait3A_81 = arith.constant 0 : i32
            %dma_wait3A_82 = tpu.memref_slice %arg11[%dma_wait3A_80, %dma_wait3A_81] : memref<10240x128xf32, #tpu.memory_space<vmem_shared>> -> memref<10240x128xf32, #tpu.memory_space<vmem_shared>>
            tpu.wait_indirect_dma semaphore(%run_scoped3A : memref<!tpu.dma_semaphore, #tpu.memory_space<semaphore_mem>>) src(%arg9 : memref<128x128xf32, #tpu.memory_space<vmem>>) dst(%dma_wait3A_82 : memref<10240x128xf32, #tpu.memory_space<vmem_shared>>)
            tpu.yield
          }) : () -> ()
          %add3A_55 = arith.constant 1 : i32
          %add3A_56 = arith.addi %mul3A_41, %add3A_55 : i32
          %dma_wait3A_57 = arith.constant 0 : i32
          %dma_wait3A_58 = tpu.memref_slice %arg7[%add3A_56, %dma_wait3A_57] : memref<16x128xi32, #tpu.memory_space<vmem>> -> memref<1x128xi32, #tpu.memory_space<vmem>>
          %dma_wait3A_59 = tpu.memref_squeeze %dma_wait3A_58 : memref<1x128xi32, #tpu.memory_space<vmem>> -> memref<128xi32, #tpu.memory_space<vmem>>
          %dma_wait3A_60 = arith.constant 0 : i32
          %dma_wait3A_61 = arith.constant 0 : i32
          %dma_wait3A_62 = tpu.memref_slice %arg4[%dma_wait3A_60, %dma_wait3A_61] : memref<10240x128xf32, #tpu.memory_space<hbm>> -> memref<10240x128xf32, #tpu.memory_space<hbm>>
          tpu.wait_indirect_dma semaphore(%arg13 : memref<!tpu.dma_semaphore, #tpu.memory_space<semaphore_mem>>) src(%dma_wait3A_62 : memref<10240x128xf32, #tpu.memory_space<hbm>>) dst(%arg10 : memref<128x128xf32, #tpu.memory_space<vmem>>)
          %add3A_63 = arith.constant 2 : i32
          %add3A_64 = arith.addi %mul3A_41, %add3A_63 : i32
          %lt3A = arith.constant 16 : i32
          %lt3A_65 = arith.cmpi slt, %add3A_64, %lt3A : i32
          %convert_element_type3A_66 = arith.extui %lt3A_65 : i1 to i32
          %cond3A_67 = arith.constant 0 : i32
          %cond3A_68 = arith.cmpi ne, %convert_element_type3A_66, %cond3A_67 : i32
          scf.if %cond3A_68 {
            %add3A_71 = arith.constant 2 : i32
            %add3A_72 = arith.addi %mul3A_41, %add3A_71 : i32
            %min3A = arith.constant 15 : i32
            %min3A_73 = arith.minsi %add3A_72, %min3A : i32
            %dma_start3A_74 = arith.constant 0 : i32
            %dma_start3A_75 = tpu.memref_slice %arg7[%min3A_73, %dma_start3A_74] : memref<16x128xi32, #tpu.memory_space<vmem>> -> memref<1x128xi32, #tpu.memory_space<vmem>>
            %dma_start3A_76 = tpu.memref_squeeze %dma_start3A_75 : memref<1x128xi32, #tpu.memory_space<vmem>> -> memref<128xi32, #tpu.memory_space<vmem>>
            %dma_start3A_77 = arith.constant 0 : i32
            %dma_start3A_78 = arith.constant 0 : i32
            %dma_start3A_79 = tpu.memref_slice %arg4[%dma_start3A_77, %dma_start3A_78] : memref<10240x128xf32, #tpu.memory_space<hbm>> -> memref<10240x128xf32, #tpu.memory_space<hbm>>
            tpu.enqueue_indirect_dma source(%dma_start3A_79 : memref<10240x128xf32, #tpu.memory_space<hbm>>) target(%arg9 : memref<128x128xf32, #tpu.memory_space<vmem>>) offsets(%dma_start3A_76 : memref<128xi32, #tpu.memory_space<vmem>>) semaphore(%arg12 : memref<!tpu.dma_semaphore, #tpu.memory_space<semaphore_mem>>)
          } else {
          }
          %add3A_69 = arith.constant 1 : i32
          %add3A_70 = arith.addi %mul3A_41, %add3A_69 : i32
          "tpu.region"() ({
            %run_scoped3A = tpu.sem_alloc : memref<!tpu.dma_semaphore, #tpu.memory_space<semaphore_mem>>
            %dma_start3A_71 = arith.constant 0 : i32
            %dma_start3A_72 = tpu.memref_slice %arg8[%add3A_70, %dma_start3A_71] : memref<16x128xi32, #tpu.memory_space<vmem>> -> memref<1x128xi32, #tpu.memory_space<vmem>>
            %dma_start3A_73 = tpu.memref_squeeze %dma_start3A_72 : memref<1x128xi32, #tpu.memory_space<vmem>> -> memref<128xi32, #tpu.memory_space<vmem>>
            %dma_start3A_74 = arith.constant 0 : i32
            %dma_start3A_75 = arith.constant 0 : i32
            %dma_start3A_76 = tpu.memref_slice %arg11[%dma_start3A_74, %dma_start3A_75] : memref<10240x128xf32, #tpu.memory_space<vmem_shared>> -> memref<10240x128xf32, #tpu.memory_space<vmem_shared>>
            tpu.enqueue_indirect_dma source(%arg10 : memref<128x128xf32, #tpu.memory_space<vmem>>) target(%dma_start3A_76 : memref<10240x128xf32, #tpu.memory_space<vmem_shared>>) offsets(%dma_start3A_73 : memref<128xi32, #tpu.memory_space<vmem>>) semaphore(%run_scoped3A : memref<!tpu.dma_semaphore, #tpu.memory_space<semaphore_mem>>) {add = true}
            %dma_wait3A_77 = arith.constant 0 : i32
            %dma_wait3A_78 = tpu.memref_slice %arg8[%add3A_70, %dma_wait3A_77] : memref<16x128xi32, #tpu.memory_space<vmem>> -> memref<1x128xi32, #tpu.memory_space<vmem>>
            %dma_wait3A_79 = tpu.memref_squeeze %dma_wait3A_78 : memref<1x128xi32, #tpu.memory_space<vmem>> -> memref<128xi32, #tpu.memory_space<vmem>>
            %dma_wait3A_80 = arith.constant 0 : i32
            %dma_wait3A_81 = arith.constant 0 : i32
            %dma_wait3A_82 = tpu.memref_slice %arg11[%dma_wait3A_80, %dma_wait3A_81] : memref<10240x128xf32, #tpu.memory_space<vmem_shared>> -> memref<10240x128xf32, #tpu.memory_space<vmem_shared>>
            tpu.wait_indirect_dma semaphore(%run_scoped3A : memref<!tpu.dma_semaphore, #tpu.memory_space<semaphore_mem>>) src(%arg10 : memref<128x128xf32, #tpu.memory_space<vmem>>) dst(%dma_wait3A_82 : memref<10240x128xf32, #tpu.memory_space<vmem_shared>>)
            tpu.yield
          }) : () -> ()
        }
        %scan3A_38 = arith.constant 8 : i32
      }
      %scan3A_19 = arith.constant 2 : i32
    } else {
    }
    %barrier3A_10 = arith.constant 0 : index
    tpu.barrier barrier_id(%barrier3A_10)
    %mul3A_11 = arith.constant 640 : i32
    %mul3A_12 = arith.muli %arg1, %mul3A_11 : i32
    %mul3A_13 = arith.constant 640 : i32
    %mul3A_14 = arith.muli %arg1, %mul3A_13 : i32
    "tpu.region"() ({
      %run_scoped3A = tpu.sem_alloc : memref<!tpu.dma_semaphore, #tpu.memory_space<semaphore_mem>>
      %dma_start3A = arith.constant 0 : i32
      %dma_start3A_15 = tpu.memref_slice %arg6[%arg0, %mul3A_14, %dma_start3A] : memref<2x10240x128xf32, #tpu.memory_space<hbm>> -> memref<1x640x128xf32, #tpu.memory_space<hbm>>
      %dma_start3A_16 = tpu.memref_squeeze %dma_start3A_15 : memref<1x640x128xf32, #tpu.memory_space<hbm>> -> memref<640x128xf32, #tpu.memory_space<hbm>>
      %dma_start3A_17 = arith.constant 0 : i32
      %dma_start3A_18 = tpu.memref_slice %arg11[%mul3A_12, %dma_start3A_17] : memref<10240x128xf32, #tpu.memory_space<vmem_shared>> -> memref<640x128xf32, #tpu.memory_space<vmem_shared>>
      tpu.enqueue_dma source(%dma_start3A_18 : memref<640x128xf32, #tpu.memory_space<vmem_shared>>) target(%dma_start3A_16 : memref<640x128xf32, #tpu.memory_space<hbm>>) target_semaphore(%run_scoped3A : memref<!tpu.dma_semaphore, #tpu.memory_space<semaphore_mem>>)
      %dma_wait3A = arith.constant 0 : i32
      %dma_wait3A_19 = tpu.memref_slice %arg6[%arg0, %mul3A_14, %dma_wait3A] : memref<2x10240x128xf32, #tpu.memory_space<hbm>> -> memref<1x640x128xf32, #tpu.memory_space<hbm>>
      %dma_wait3A_20 = tpu.memref_squeeze %dma_wait3A_19 : memref<1x640x128xf32, #tpu.memory_space<hbm>> -> memref<640x128xf32, #tpu.memory_space<hbm>>
      %dma_wait3A_21 = arith.constant 0 : i32
      %dma_wait3A_22 = tpu.memref_slice %arg11[%mul3A_12, %dma_wait3A_21] : memref<10240x128xf32, #tpu.memory_space<vmem_shared>> -> memref<640x128xf32, #tpu.memory_space<vmem_shared>>
      tpu.wait_dma2 semaphore(%run_scoped3A : memref<!tpu.dma_semaphore, #tpu.memory_space<semaphore_mem>>) src(%dma_wait3A_22 : memref<640x128xf32, #tpu.memory_space<vmem_shared>>) dst(%dma_wait3A_20 : memref<640x128xf32, #tpu.memory_space<hbm>>)
      tpu.yield
    }) : () -> ()
    return
  }
}

module attributes {stable_mosaic.version = 14 : i64} {
  func.func @_h_body(%arg0: i32, %arg1: memref<32x512xf32, #tpu.memory_space<vmem>>, %arg2: memref<512x128xf32, #tpu.memory_space<vmem>>, %arg3: memref<512x128xf32, #tpu.memory_space<vmem>>) attributes {dimension_semantics = [#tpu.dimension_semantics<arbitrary>], iteration_bounds = array<i64: 20>, scalar_prefetch = 0 : i64, scratch_operands = 0 : i64, tpu.core_type = #tpu.core_type<tc>, window_params = [{transform_indices = @transform_0, window_bounds = array<i64: 32, 512>}, {transform_indices = @transform_1, window_bounds = array<i64: 512, 128>}, {transform_indices = @transform_2, window_bounds = array<i64: 512, 128>}]} {
    %get3A = arith.constant 0 : index
    %get3A_0 = arith.constant 0 : index
    %get3A_1 = vector.load %arg1[%get3A, %get3A_0] : memref<32x512xf32, #tpu.memory_space<vmem>>, vector<32x512xf32>
    %reduce_sum3A = arith.constant dense<0.000000e+00> : vector<512xf32>
    %reduce_sum3A_2 = vector.multi_reduction <add>, %get3A_1, %reduce_sum3A [0] : vector<32x512xf32> to vector<512xf32>
    %broadcast_in_dim3A = vector.shape_cast %reduce_sum3A_2 : vector<512xf32> to vector<512x1xf32>
    %max3A = arith.constant 1.000000e+00 : f32
    %max3A_3 = vector.broadcast %max3A : f32 to vector<512x1xf32>
    %max3A_4 = arith.maximumf %broadcast_in_dim3A, %max3A_3 : vector<512x1xf32>
    %rsqrt3A = math.rsqrt %max3A_4 : vector<512x1xf32>
    %get3A_5 = arith.constant 0 : index
    %get3A_6 = arith.constant 0 : index
    %get3A_7 = vector.load %arg2[%get3A_5, %get3A_6] : memref<512x128xf32, #tpu.memory_space<vmem>>, vector<512x128xf32>
    %mul3A = vector.broadcast %rsqrt3A : vector<512x1xf32> to vector<512x128xf32>
    %mul3A_8 = arith.mulf %get3A_7, %mul3A : vector<512x128xf32>
    %swap3A = arith.constant 0 : index
    %swap3A_9 = arith.constant 0 : index
    %swap3A_10 = vector.load %arg3[%swap3A, %swap3A_9] : memref<512x128xf32, #tpu.memory_space<vmem>>, vector<512x128xf32>
    tpu.vector_store %arg3[%swap3A, %swap3A_9], %mul3A_8 {strides = array<i32>} : memref<512x128xf32, #tpu.memory_space<vmem>>, vector<512x128xf32>,
    return
  }
  func.func @transform_0(%arg0: i32) -> (i32, i32) {
    %c0_i32 = arith.constant 0 : i32
    %c0_i32_0 = arith.constant 0 : i32
    return %c0_i32, %arg0 : i32, i32
  }
  func.func @transform_1(%arg0: i32) -> (i32, i32) {
    %c0_i32 = arith.constant 0 : i32
    %c0_i32_0 = arith.constant 0 : i32
    return %arg0, %c0_i32 : i32, i32
  }
  func.func @transform_2(%arg0: i32) -> (i32, i32) {
    %c0_i32 = arith.constant 0 : i32
    %c0_i32_0 = arith.constant 0 : i32
    return %arg0, %c0_i32 : i32, i32
  }
}

module attributes {stable_mosaic.version = 14 : i64} {
  func.func @_out_body(%arg0: i32, %arg1: memref<32x512xf32, #tpu.memory_space<vmem>>, %arg2: memref<2x512x128xf32, #tpu.memory_space<vmem>>, %arg3: memref<128x128xf32, #tpu.memory_space<vmem>>, %arg4: memref<1x128xf32, #tpu.memory_space<vmem>>, %arg5: memref<128x128xf32, #tpu.memory_space<vmem>>, %arg6: memref<1x128xf32, #tpu.memory_space<vmem>>, %arg7: memref<512x128xf32, #tpu.memory_space<vmem>>) attributes {dimension_semantics = [#tpu.dimension_semantics<arbitrary>], iteration_bounds = array<i64: 20>, scalar_prefetch = 0 : i64, scratch_operands = 0 : i64, tpu.core_type = #tpu.core_type<tc>, window_params = [{transform_indices = @transform_0, window_bounds = array<i64: 32, 512>}, {transform_indices = @transform_1, window_bounds = array<i64: 2, 512, 128>}, {pipeline_mode = #tpu.pipeline_mode<synchronous>, transform_indices = @transform_2, window_bounds = array<i64: 128, 128>}, {pipeline_mode = #tpu.pipeline_mode<synchronous>, transform_indices = @transform_3, window_bounds = array<i64: 1, 128>}, {pipeline_mode = #tpu.pipeline_mode<synchronous>, transform_indices = @transform_4, window_bounds = array<i64: 128, 128>}, {pipeline_mode = #tpu.pipeline_mode<synchronous>, transform_indices = @transform_5, window_bounds = array<i64: 1, 128>}, {transform_indices = @transform_6, window_bounds = array<i64: 512, 128>}]} {
    %get3A = arith.constant 0 : index
    %get3A_0 = arith.constant 0 : index
    %get3A_1 = vector.load %arg1[%get3A, %get3A_0] : memref<32x512xf32, #tpu.memory_space<vmem>>, vector<32x512xf32>
    %reduce_sum3A = arith.constant dense<0.000000e+00> : vector<512xf32>
    %reduce_sum3A_2 = vector.multi_reduction <add>, %get3A_1, %reduce_sum3A [0] : vector<32x512xf32> to vector<512xf32>
    %broadcast_in_dim3A = vector.shape_cast %reduce_sum3A_2 : vector<512xf32> to vector<512x1xf32>
    %max3A = arith.constant 1.000000e+00 : f32
    %max3A_3 = vector.broadcast %max3A : f32 to vector<512x1xf32>
    %max3A_4 = arith.maximumf %broadcast_in_dim3A, %max3A_3 : vector<512x1xf32>
    %rsqrt3A = math.rsqrt %max3A_4 : vector<512x1xf32>
    %get3A_5 = arith.constant 0 : index
    %get3A_6 = arith.constant 0 : index
    %get3A_7 = arith.constant 0 : index
    %get3A_8 = vector.load %arg2[%get3A_5, %get3A_6, %get3A_7] : memref<2x512x128xf32, #tpu.memory_space<vmem>>, vector<1x512x128xf32>
    %get3A_9 = vector.shape_cast %get3A_8 : vector<1x512x128xf32> to vector<512x128xf32>
    %get3A_10 = arith.constant 1 : index
    %get3A_11 = arith.constant 0 : index
    %get3A_12 = arith.constant 0 : index
    %get3A_13 = vector.load %arg2[%get3A_10, %get3A_11, %get3A_12] : memref<2x512x128xf32, #tpu.memory_space<vmem>>, vector<1x512x128xf32>
    %get3A_14 = vector.shape_cast %get3A_13 : vector<1x512x128xf32> to vector<512x128xf32>
    %add3A = arith.addf %get3A_9, %get3A_14 : vector<512x128xf32>
    %mul3A = vector.broadcast %rsqrt3A : vector<512x1xf32> to vector<512x128xf32>
    %mul3A_15 = arith.mulf %add3A, %mul3A : vector<512x128xf32>
    %get3A_16 = arith.constant 0 : index
    %get3A_17 = arith.constant 0 : index
    %get3A_18 = vector.load %arg3[%get3A_16, %get3A_17] : memref<128x128xf32, #tpu.memory_space<vmem>>, vector<128x128xf32>
    %dot_general3A = arith.constant dense<0.000000e+00> : vector<512x128xf32>
    %dot_general3A_19 = tpu.matmul %mul3A_15, %get3A_18, %dot_general3A {dimension_numbers = #tpu.dot_dimension_numbers<[1], [0], [0], [1], [0, 0, 1, 1], [], []>, transpose_lhs_hint = false} : vector<512x128xf32>, vector<128x128xf32>, vector<512x128xf32> -> vector<512x128xf32>
    %get3A_20 = arith.constant 0 : index
    %get3A_21 = arith.constant 0 : index
    %get3A_22 = vector.load %arg4[%get3A_20, %get3A_21] : memref<1x128xf32, #tpu.memory_space<vmem>>, vector<1x128xf32>
    %add3A_23 = vector.broadcast %get3A_22 : vector<1x128xf32> to vector<512x128xf32>
    %add3A_24 = arith.addf %dot_general3A_19, %add3A_23 : vector<512x128xf32>
    %max3A_25 = arith.constant 0.000000e+00 : f32
    %max3A_26 = vector.broadcast %max3A_25 : f32 to vector<512x128xf32>
    %max3A_27 = arith.maximumf %add3A_24, %max3A_26 : vector<512x128xf32>
    %get3A_28 = arith.constant 0 : index
    %get3A_29 = arith.constant 0 : index
    %get3A_30 = vector.load %arg5[%get3A_28, %get3A_29] : memref<128x128xf32, #tpu.memory_space<vmem>>, vector<128x128xf32>
    %dot_general3A_31 = arith.constant dense<0.000000e+00> : vector<512x128xf32>
    %dot_general3A_32 = tpu.matmul %max3A_27, %get3A_30, %dot_general3A_31 {dimension_numbers = #tpu.dot_dimension_numbers<[1], [0], [0], [1], [0, 0, 1, 1], [], []>, transpose_lhs_hint = false} : vector<512x128xf32>, vector<128x128xf32>, vector<512x128xf32> -> vector<512x128xf32>
    %get3A_33 = arith.constant 0 : index
    %get3A_34 = arith.constant 0 : index
    %get3A_35 = vector.load %arg6[%get3A_33, %get3A_34] : memref<1x128xf32, #tpu.memory_space<vmem>>, vector<1x128xf32>
    %add3A_36 = vector.broadcast %get3A_35 : vector<1x128xf32> to vector<512x128xf32>
    %add3A_37 = arith.addf %dot_general3A_32, %add3A_36 : vector<512x128xf32>
    %max3A_38 = arith.constant 0.000000e+00 : f32
    %max3A_39 = vector.broadcast %max3A_38 : f32 to vector<512x128xf32>
    %max3A_40 = arith.maximumf %add3A_37, %max3A_39 : vector<512x128xf32>
    %swap3A = arith.constant 0 : index
    %swap3A_41 = arith.constant 0 : index
    %swap3A_42 = vector.load %arg7[%swap3A, %swap3A_41] : memref<512x128xf32, #tpu.memory_space<vmem>>, vector<512x128xf32>
    tpu.vector_store %arg7[%swap3A, %swap3A_41], %max3A_40 {strides = array<i32>} : memref<512x128xf32, #tpu.memory_space<vmem>>, vector<512x128xf32>,
    return
  }
  func.func @transform_0(%arg0: i32) -> (i32, i32) {
    %c0_i32 = arith.constant 0 : i32
    %c0_i32_0 = arith.constant 0 : i32
    return %c0_i32, %arg0 : i32, i32
  }
  func.func @transform_1(%arg0: i32) -> (i32, i32, i32) {
    %c0_i32 = arith.constant 0 : i32
    %c0_i32_0 = arith.constant 0 : i32
    %c0_i32_1 = arith.constant 0 : i32
    return %c0_i32, %arg0, %c0_i32_0 : i32, i32, i32
  }
  func.func @transform_2(%arg0: i32) -> (i32, i32) {
    %c0_i32 = arith.constant 0 : i32
    %c0_i32_0 = arith.constant 0 : i32
    %c0_i32_1 = arith.constant 0 : i32
    return %c0_i32, %c0_i32_0 : i32, i32
  }
  func.func @transform_3(%arg0: i32) -> (i32, i32) {
    %c0_i32 = arith.constant 0 : i32
    %c0_i32_0 = arith.constant 0 : i32
    %c0_i32_1 = arith.constant 0 : i32
    return %c0_i32, %c0_i32_0 : i32, i32
  }
  func.func @transform_4(%arg0: i32) -> (i32, i32) {
    %c0_i32 = arith.constant 0 : i32
    %c0_i32_0 = arith.constant 0 : i32
    %c0_i32_1 = arith.constant 0 : i32
    return %c0_i32, %c0_i32_0 : i32, i32
  }
  func.func @transform_5(%arg0: i32) -> (i32, i32) {
    %c0_i32 = arith.constant 0 : i32
    %c0_i32_0 = arith.constant 0 : i32
    %c0_i32_1 = arith.constant 0 : i32
    return %c0_i32, %c0_i32_0 : i32, i32
  }
  func.func @transform_6(%arg0: i32) -> (i32, i32) {
    %c0_i32 = arith.constant 0 : i32
    %c0_i32_0 = arith.constant 0 : i32
    return %arg0, %c0_i32 : i32, i32
  }
}

</mosaic_0001>

<sc_bundles>
// kernel: kernel.6.cloned.1.call-start
scs
__scs_entry_jumppad:
0x0: {  	(pc) =	sbr.rel $0x88, $3  }
0x1: {  	(tag) =	ssettag $0x0;
	lr =	simm.s32 $0x1  }
0x2: {  	[smem:$0x3F9B] =	sst lr;
	_ =	strace $0xD0000000  }
0x3: {  	_ = 	snop  }
0x4: {  	_ = 	snop  }
0x5: {  	_ = 	snop  }
0x6: {  	_ = 	snop  }
0x7: {  	_ = 	snop  }
__scs_overlays_trampoline_lowered:
0x8: {  	[smem:$0x3FAA] =	sst s0  }
0x9: {  	[smem:$0x3FAB] =	sst s1  }
0xa: {  	[smem:$0x3FAC] =	sst s2  }
0xb: {  	[smem:$0x3FAD] =	sst s3  }
0xc: {  	[smem:$0x3FAE] =	sst s4  }
0xd: {  	[smem:$0x3FAF] =	sst s5  }
0xe: {  	[smem:$0x3FB0] =	sst s6  }
0xf: {  	[smem:$0x3FB1] =	sst s7  }
0x10: {  	[smem:$0x3FB2] =	sst s8  }
0x11: {  	[smem:$0x3FB3] =	sst s9;
	s0 =	simm.s32 @!p0 $0x0  }
0x12: {  	s1 =	sld [smem:$0x3F99];
	s0 =	simm.s32 @p0 $0x1  }
0x13: {  	[smem:$0x3FB4] =	sst s0;
	s0 =	simm.s32 @!p1 $0x0  }
0x14: {  	s2 =	sld [smem:$0x3F98];
	s0 =	simm.s32 @p1 $0x1  }
0x15: {  	[smem:$0x3FB5] =	sst s0;
	s0 =	simm.s32 @!p2 $0x0  }
0x16: {  	s3 =	sld [smem:$0x3FDB];
	s0 =	simm.s32 @p2 $0x1  }
0x17: {  	s4 =	simm.s32 $0x1BF5;
	[smem:$0x3FB7] =	sst s0  }
0x18: {  	s0 =	sld [smem:$0x3F9A];
	_ =	swait.ge [sflag:s4], $0x0  }
0x19: {  	s7 =	sld [smem:$0x3F9B]  }
0x1a: {  	s8 =	sadd.s32 $0xFFFFE003, lr  }
0x1b: {  	s9 =	sadd.s32 $0xFFFFFEF7, lr;
	s5 =	simm.s32 $0xFFFFFFFF;
	p2 =	slt.u32 s8, $0xFFFFF086  }
0x1c: {  	p1 =	slt.u32 s9, $0xF7A;
	s5 =	simm.s32 @!p2 $0x0  }
0x1d: {  	s5 =	simm.s32 @p1 $0x1;
	p0 =	seq.s32 s7, s2  }
0x1e: {  	s7 =	smul.u32 @!p0 $0xF7A, s2;
	p2 =	seq.s32 @!p0 s5, $0x0  }
0x1f: {  	s9 =	smul.u32 $0xF7A, s1;
	s8 =	simm.s32 @!p0 $0x1BF5;
	p2 =	por !p2, p0  }
0x20: {  	[sflag:s8] =	ssyncset.s32 @!p0 $0xFFFFF086;
	s6 =	sadd.s32 @!p0 s3, s7;
	s7 =	simm.s32 @!p0 $0x108  }
0x21: {  	s3 =	sadd.s32 s3, s9;
	s6 =	sadd.s32 @!p0 $0x88, s6;
	s7 =	simm.s32 @p2 $0x1082  }
0x22: {  	[simem:s7], [sflag:s8] =	dma.local @!p0 [hbm:s6], $0xF7A  }
0x23: {  	s9 =	sor.u32 $0xD0000000, s2;
	s6 =	simm.s32 $0x108;
	_ =	swait.ge @!p0 [sflag:s8], $0x0  }
0x24: {  	s3 =	sadd.s32 $0x88, s3;
	s6 =	simm.s32 @!p1 $0x1082;
	[sflag:s4] =	ssyncset.s32 $0xFFFFF086  }
0x25: {  	[simem:s6], [sflag:s4] =	dma.local [hbm:s3], $0xF7A  }
0x26: {  	[smem:$0x3F9B] =	sst s1;
	(tag) =	ssettag s2;
	_ =	strace s9  }
0x27: {  	s1 =	sld [smem:$0x3FAB]  }
0x28: {  	s2 =	sld [smem:$0x3FAC]  }
0x29: {  	s4 =	sld [smem:$0x3FAE]  }
0x2a: {  	p0 =	seq.s32 s5, $0x0;
	s5 =	sld [smem:$0x3FAF]  }
0x2b: {  	s6 =	sld [smem:$0x3FB0]  }
0x2c: {  	s7 =	sld [smem:$0x3FB1]  }
0x2d: {  	s3 =	simm.s32 $0x108;
	s8 =	sld [smem:$0x3FB2]  }
0x2e: {  	s3 =	simm.s32 @!p0 $0x1082;
	s9 =	sld [smem:$0x3FB3]  }
0x2f: {  	lr =	sadd.s32 s0, s3;
	s0 =	sld [smem:$0x3FAA]  }
0x30: {  	s3 =	sld [smem:$0x3FAD]  }
0x31: {  	[smem:$0x3FB6] =	sst s10  }
0x32: {  	s10 =	sld [smem:$0x3FB4];
	_ =	sdelay $0x3  }
0x33: {  	p0 =	seq.s32 s10, $0x1;
	s10 =	sld [smem:$0x3FB6];
	_ =	sdelay $0x3  }
0x34: {  	[smem:$0x3FB6] =	sst s10  }
0x35: {  	s10 =	sld [smem:$0x3FB5];
	_ =	sdelay $0x3  }
0x36: {  	p1 =	seq.s32 s10, $0x1;
	s10 =	sld [smem:$0x3FB6];
	_ =	sdelay $0x3  }
0x37: {  	[smem:$0x3FB6] =	sst s10  }
0x38: {  	s10 =	sld [smem:$0x3FB7]  }
0x39: {  	_ = 	snop;
	(pc) =	sbr.ind lr, $3  }
0x3a: {  	_ = 	snop  }
0x3b: {  	_ = 	snop  }
0x3c: {  	p2 =	seq.s32 s10, $0x1;
	s10 =	sld [smem:$0x3FB6]  }
0x3d: {  	_ =	shalt  }
0x3e: {  	_ =	shalt  }
0x3f: {  	_ =	shalt  }
0x40: {  	_ =	shalt  }
0x41: {  	_ =	shalt  }
0x42: {  	_ =	shalt  }
0x43: {  	_ =	shalt  }
0x44: {  	_ =	shalt  }
0x45: {  	_ =	shalt  }
0x46: {  	_ =	shalt  }
0x47: {  	_ =	shalt  }
0x48: {  	_ =	shalt  }
0x49: {  	_ =	shalt  }
0x4a: {  	_ =	shalt  }
0x4b: {  	_ =	shalt  }
0x4c: {  	_ =	shalt  }
0x4d: {  	_ =	shalt  }
0x4e: {  	_ =	shalt  }
0x4f: {  	_ =	shalt  }
0x50: {  	_ =	shalt  }
0x51: {  	_ =	shalt  }
0x52: {  	_ =	shalt  }
0x53: {  	_ =	shalt  }
0x54: {  	_ =	shalt  }
0x55: {  	_ =	shalt  }
0x56: {  	_ =	shalt  }
0x57: {  	_ =	shalt  }
0x58: {  	_ =	shalt  }
0x59: {  	_ =	shalt  }
0x5a: {  	_ =	shalt  }
0x5b: {  	_ =	shalt  }
0x5c: {  	_ =	shalt  }
0x5d: {  	_ =	shalt  }
0x5e: {  	_ =	shalt  }
0x5f: {  	_ =	shalt  }
0x60: {  	_ =	shalt  }
0x61: {  	_ =	shalt  }
0x62: {  	_ =	shalt  }
0x63: {  	_ =	shalt  }
0x64: {  	_ =	shalt  }
0x65: {  	_ =	shalt  }
0x66: {  	_ =	shalt  }
0x67: {  	_ =	shalt  }
0x68: {  	_ =	shalt  }
0x69: {  	_ =	shalt  }
0x6a: {  	_ =	shalt  }
0x6b: {  	_ =	shalt  }
0x6c: {  	_ =	shalt  }
0x6d: {  	_ =	shalt  }
0x6e: {  	_ =	shalt  }
0x6f: {  	_ =	shalt  }
0x70: {  	_ =	shalt  }
0x71: {  	_ =	shalt  }
0x72: {  	_ =	shalt  }
0x73: {  	_ =	shalt  }
0x74: {  	_ =	shalt  }
0x75: {  	_ =	shalt  }
0x76: {  	_ =	shalt  }
0x77: {  	_ =	shalt  }
0x78: {  	_ =	shalt  }
0x79: {  	_ =	shalt  }
0x7a: {  	_ =	shalt  }
0x7b: {  	_ =	shalt  }
0x7c: {  	_ =	shalt  }
0x7d: {  	_ =	shalt  }
0x7e: {  	_ =	shalt  }
0x7f: {  	_ =	shalt  }
0x80: {  	_ =	shalt  }
0x81: {  	_ =	shalt  }
0x82: {  	_ =	shalt  }
0x83: {  	_ =	shalt  }
0x84: {  	_ =	shalt  }
0x85: {  	_ =	shalt  }
0x86: {  	_ =	shalt  }
0x87: {  	_ =	shalt  }
.Lfunc_end0:
.L_simem_size_0:
called_computation_lowered:
.L_overlay_start_0:
0x88: {  	s2 =	sld [smem:$0x3FD9]  }
0x89: {  	s3 =	sld [smem:$0x3FFE];
	_ =	sdelay $0x1  }
0x8a: {  	s1 =	srdreg.scid  }
0x8b: {  	s0 =	sand.u32 $0x1, s1  }
0x8c: {  	s17 =	sshll.u32 s0, $0xA;
	s2 =	sadd.s32 s3, s2  }
0x8d: {  	s2 =	sadd.s32 s2, s17  }
0x8e: {  	[smem:$0x3FC2] =	sst s2  }
0x8f: {  	_ = 	snop  }
0x90: {  	s2 =	sld [smem:$0x3FD0];
	(tm) =	ssettm $0x1  }
0x91: {  	s18 =	sld [smem:$0x3FFB];
	_ =	sdelay $0x3  }
0x92: {  	_ =	strace s18  }
0x93: {  	s3 =	sld [smem:$0x3FFC];
	_ =	sdelay $0x3  }
0x94: {  	_ =	strace s3  }
0x95: {  	s3 =	sld [smem:$0x3FFD];
	_ =	sdelay $0x3  }
0x96: {  	_ =	strace s3  }
0x97: {  	_ =	strace $0x8FFFFFFF  }
0x98: {  	s19 =	sld [smem:$0x3FDB];
	_ =	sdelay $0x1  }
0x99: {  	s4 =	simm.s32 $_scs_section_size  }
0x9a: {  	s5 =	simm.s32 $_size__tile_overlayer_lowered;
	s6 =	simm.s32 $_tile_overlayer_lowered  }
0x9b: {  	s22 =	simm.s32 $0x1BFF;
	s21 =	sshll.u32 s6, $0x1;
	s3 =	sadd.s32 s4, s19  }
0x9c: {  	s7 =	simm.s32 $0x0;
	s20 =	sshll.u32 s5, $0x1;
	s5 =	sadd.s32 s21, s3  }
0x9d: {  	[timem:s7], [sflag:s22] =	dma.local [hbm:s5], s20  }
0x9e: {  	_ =	swait.ge [sflag:s22], s20  }
0x9f: {  	s4 =	ssub.s32 $0x0, s20;
	[sflag:s22] =	ssyncset.done $0x0  }
0xa0: {  	[sflag:s22] =	ssyncadd.s32 s4;
	_ =	sdelay $0x1  }
0xa1: {  	s23 =	simm.s32 $0x1B8B  }
0xa2: {  	_ =	swait.ge [sflag:s23], $0x1  }
0xa3: {  	[sflag:s23] =	ssyncset.done $0x0  }
0xa4: {  	s25 =	simm.s32 $0x1B8E;
	s24 =	sld [smem:$0x3FFE];
	[sflag:s23] =	ssyncadd.s32 $0xFFFFFFFF  }
0xa5: {  	s26 =	simm.s32 $execute0_lowered;
	[smem:$0x3FD2] =	sst s25  }
0xa6: {  	s5 =	sshll.u32 s26, $0x1;
	_ =	strace $0x80000046;
	[dreg:$0x1] =	wrdreg $0xFFFFFFFF  }
0xa7: {  	s28 =	simm.s32 $_size_execute0_lowered;
	s3 =	sadd.s32 s3, s5;
	[dreg:$0x0] =	wrdreg $0x0  }
0xa8: {  	s5 =	sshll.u32 s28, $0x1;
	[dreg:$0x2] =	wrdreg s3  }
0xa9: {  	[dreg:$0x3] =	wrdreg s5  }
0xaa: {  	[dreg:$0x4] =	wrdreg $0xC0  }
0xab: {  	_ =	task [dreg:s7], $0x5FFFF  }
0xac: {  	[dreg:$0x1] =	wrdreg $0xFFFFFFFF  }
0xad: {  	[dreg:$0x0] =	wrdreg $0x60  }
0xae: {  	[dreg:$0x2] =	wrdreg s2  }
0xaf: {  	[dreg:$0x3] =	wrdreg s24  }
0xb0: {  	[dreg:$0x4] =	wrdreg $0x9  }
0xb1: {  	_ =	task.clear_ibuf [dreg:s7], $0x5FFFF;
	_ =	strace $0x90000046  }
0xb2: {  	s29 =	simm.s32 $0x9;
	_ =	strace $0x80000048  }
0xb3: {  	_ =	swait.ge [sflag:s29], $0x1  }
0xb4: {  	[sflag:s29] =	ssyncadd.s32 $0xFFFFFFFF  }
0xb5: {  	_ =	strace $0x90000048  }
0xb6: {  	_ =	sfence  }
0xb7: {  	s30 =	sld [smem:$0x0];
	_ =	sdelay $0x2  }
0xb8: {  	s31 =	sshll.u32 s1, $0xD;
	s1 =	sshrl.u32 s1, $0x2  }
0xb9: {  	s3 =	sand.u32 $0x4000, s31;
	s1 =	sadd.s32 s1, s30  }
0xba: {  	s0 =	sor.u32 s3, s0;
	s1 =	sshll.u32 s1, $0x11  }
0xbb: {  	s0 =	sor.u32 s1, s0  }
0xbc: {  	s0 =	sadd.s32 $0x8F2B, s0  }
0xbd: {  	[sflag:s0] =	ssyncadd.remote.s32 $0x1  }
0xbe: {  	_ =	sfence.sel $0xFFFF  }
0xbf: {  	[dreg:$0x0] =	wrdreg $0xFFFFFFFF;
	(pc) =	sbr.abs _section_cstart, $3  }
0xc0: {  	[dreg:$0x1] =	wrdreg $0xFFFFFFFF  }
0xc1: {  	_ =	task.clear_ibuf [dreg:s7], $0x2FFFF;
	_ =	strace $0x9FFFFFFF  }
0xc2: {  	(tm) =	ssettm $0x7FFFFFFF  }
0xc3: {  	_ =	shalt  }
tec
execute0_lowered:
.L_overlay_start_1:
0x0: {  	(tag) =	ssettag $0x1  }
0x1: {  	s1 =	srdreg.scid;
	s2 =	rddreg [dreg:$0x0]  }
0x2: {  	s0 =	stileid.u32;
	s6 =	rddreg [dreg:$0x1]  }
0x3: {  	s3 =	simm.s32 $0x0;
	s4 =	sand.u32 $0x1, s1;
	s28 =	sshll.u32 s0, $0x1  }
0x4: {  	s9 =	simm.s32 $0x80;
	s29 =	sshrl.u32 s0, $0x2;
	s5 =	sor.u32 s4, s28  }
0x5: {  	s10 =	simm.s32 $0x400;
	s7 =	smul.u32 $0x14000, s29;
	s8 =	sshll.u32 s5, $0x7  }
0x6: {  	s1 =	rddreg [dreg:$0x2];
	s4 =	ssub.s32 $0x2, s4;
	s8 =	sand.u32 $0x380, s8  }
0x7: {  	[smem:$0x7FF] =	sst s3;
	s30 =	sshrl.u32 s4, $0x1;
	s7 =	sor.u32 s7, s8  }
0x8: {  	_ =	strace $0x80000047;
	s31 =	ssub.s32 s4, s30;
	s7 =	sshrl.u32 s7, $0x3  }
0x9: {  	s4 =	smul.u32 $0x5000, s5;
	s8 =	simm.s32 $0x800;
	s6 =	sadd.s32 s7, s6  }
0xa: {  	v0 =	vimm.f32 $0.0e+00;
	v1 =	vimm.f32 $1.000000000e+00;
	s7 =	simm.s32 $0x1;
	s5 =	sadd.s32 $0xB800, s6;
	s6 =	smax.u32 s31, $0x1  }
.LBB2_1:
0xb: {  	s11 =	simm.s32 $0x40;
	s12 =	simm.s32 $0x0  }
.LBB2_2:
0xc: {  	p0 =	sne.s32 s11, $0x9FC0;
	[tilespmem:s12+$0x800] =	vst v0;
	s12 =	smov.u32 s11;
	s11 =	sadd.s32 $0x40, s11  }
.Ltmp0:
0xd: {  	(pc) =	sbr.rel @p0 .LBB2_2-.Ltmp0, $2  }
0xe: {  	_ =	sdelay $0x2  }
0xf: {  	s12 =	sshra.s32 s12, $0x2  }
0x10: {  	[tilespmem:s12+$0x800] =	vst v0;
	s11 =	simm.s32 $0x0;
	s12 =	simm.s32 $0x0  }
.LBB2_4:
0x11: {  	s13 =	sshll.u32 s12, $0xB  }
0x12: {  	s13 =	sadd.s32 s4, s13  }
0x13: {  	s13 =	sshrl.u32 s13, $0x3  }
0x14: {  	s13 =	sadd.s32 s2, s13  }
0x15: {  	[tilespmem:s11], [sflag:$0x1] =	stream.linear.gather [hbm4b:s13+s11], $0x800, $0x38;
	[tilespmem:$0x3000] =	vst v63  }
0x16: {  	_ =	swait.ge [sflag:s7], $0x800  }
0x17: {  	[sflag:s7] =	ssyncset.done $0x0  }
0x18: {  	s13 =	simm.s32 $0x0;
	[sflag:s7] =	ssyncadd.s32 $0xFFFFF800  }
.LBB2_5:
0x19: {  	s14 =	sshra.s32 s13, $0x2  }
0x1a: {  	v2 =	vld [tilespmem:s14+$0x0];
	_ =	sdelay $0x7  }
0x1b: {  	[tilespmem:v2+s8+$0x0] =	vst.idx.add.f32.msk $0xffff, v1  }
0x1c: {  	v2 =	vld [tilespmem:s14+$0x10];
	_ =	sdelay $0x7  }
0x1d: {  	[tilespmem:v2+s8+$0x0] =	vst.idx.add.f32.msk $0xffff, v1  }
0x1e: {  	v2 =	vld [tilespmem:s14+$0x20];
	_ =	sdelay $0x7  }
0x1f: {  	[tilespmem:v2+s8+$0x0] =	vst.idx.add.f32.msk $0xffff, v1  }
0x20: {  	v2 =	vld [tilespmem:s14+$0x30];
	_ =	sdelay $0x2  }
0x21: {  	p0 =	sne.s32 s13, $0x1E00  }
.Ltmp1:
0x22: {  	_ = 	snop;
	(pc) =	sbr.rel @p0 .LBB2_5-.Ltmp1, $2  }
0x23: {  	_ =	sdelay $0x2  }
0x24: {  	s13 =	sadd.s32 $0x200, s13;
	[tilespmem:v2+s8+$0x0] =	vst.idx.add.f32.msk $0xffff, v1  }
0x25: {  	s12 =	sadd.s32 $0x1, s12  }
0x26: {  	p0 =	sne.s32 s12, $0xA  }
.Ltmp2:
0x27: {  	_ = 	snop;
	(pc) =	sbr.rel @p0 .LBB2_4-.Ltmp2, $1  }
0x28: {  	_ =	sdelay $0x3  }
0x29: {  	s3 =	sadd.s32 $0x1, s3  }
0x2a: {  	p0 =	sne.s32 s3, s6  }
.Ltmp3:
0x2b: {  	_ = 	snop;
	(pc) =	sbr.rel @p0 .LBB2_1-.Ltmp3, $4  }
0x2c: {  	[hbm4b:s5+s9] =	stream.strided.scatter [tilespmem:s8], [sflag:$0x1], $0x2800, s10, s9, $0x38;
	[tilespmem:$0x3000] =	vst v63  }
0x2d: {  	_ =	swait.ge [sflag:s7], $0x2800  }
0x2e: {  	[sflag:s7] =	ssyncset.done $0x0  }
0x2f: {  	[sflag:s7] =	ssyncadd.s32 $0xFFFFD800  }
0x30: {  	_ =	sfence.sel $0x180000  }
0x31: {  	[bflag:$0x0] =	sbarrier.arrive $0xFFFF  }
0x32: {  	p0 =	sne.s32 s0, $0x0;
	_ =	strace $0x90000047  }
0x33: {  	s0 =	sadd.s32 @!p0 $0x100000, s1;
	[bflag:$0x2] =	sbarrier.arrive $0xFFFF  }
0x34: {  	[sflag:s0] =	ssyncadd.tile.s32 @!p0 $0x1;
	_ =	shalt  }
.Lfunc_end2:
_tile_overlayer_lowered:
.L_overlay_start_2:
0x35: {  	(tag) =	ssettag $0x2  }
0x36: {  	s0 =	rddreg [dreg:$0x0];
	s2 =	stileid.u32  }
0x37: {  	s1 =	rddreg [dreg:$0x1];
	p0 =	sne.s32 s2, $0x0  }
0x38: {  	s3 =	rddreg [dreg:$0x2];
	[bflag:$0x3] =	sbarrier.arrive $0xFFFF;
	s2 =	simm.s32 @!p0 $0x1C01  }
0x39: {  	[timem:s3], [sflag:s2] =	dma.local @!p0 [hbm:s0], s1  }
0x3a: {  	s0 =	simm.s32 @!p0 $0x1  }
0x3b: {  	_ =	swait.ge @!p0 [sflag:s0], s1  }
0x3c: {  	s1 =	ssub.s32 @!p0 $0x0, s1;
	[sflag:s0] =	ssyncset.done @!p0 $0x0  }
0x3d: {  	[sflag:s0] =	ssyncadd.s32 @!p0 s1  }
0x3e: {  	[bflag:$0x3] =	sbarrier.arrive $0xFFFF  }
0x3f: {  	_ =	shalt  }

// kernel: kernel.9.cloned.1.call-start
scs
__scs_entry_jumppad:
0x0: {  	(pc) =	sbr.rel $0x88, $3  }
0x1: {  	(tag) =	ssettag $0x0;
	lr =	simm.s32 $0x1  }
0x2: {  	[smem:$0x3F9B] =	sst lr;
	_ =	strace $0xD0000000  }
0x3: {  	_ = 	snop  }
0x4: {  	_ = 	snop  }
0x5: {  	_ = 	snop  }
0x6: {  	_ = 	snop  }
0x7: {  	_ = 	snop  }
__scs_overlays_trampoline_lowered:
0x8: {  	[smem:$0x3FAA] =	sst s0  }
0x9: {  	[smem:$0x3FAB] =	sst s1  }
0xa: {  	[smem:$0x3FAC] =	sst s2  }
0xb: {  	[smem:$0x3FAD] =	sst s3  }
0xc: {  	[smem:$0x3FAE] =	sst s4  }
0xd: {  	[smem:$0x3FAF] =	sst s5  }
0xe: {  	[smem:$0x3FB0] =	sst s6  }
0xf: {  	[smem:$0x3FB1] =	sst s7  }
0x10: {  	[smem:$0x3FB2] =	sst s8  }
0x11: {  	[smem:$0x3FB3] =	sst s9;
	s0 =	simm.s32 @!p0 $0x0  }
0x12: {  	s1 =	sld [smem:$0x3F99];
	s0 =	simm.s32 @p0 $0x1  }
0x13: {  	[smem:$0x3FB4] =	sst s0;
	s0 =	simm.s32 @!p1 $0x0  }
0x14: {  	s2 =	sld [smem:$0x3F98];
	s0 =	simm.s32 @p1 $0x1  }
0x15: {  	[smem:$0x3FB5] =	sst s0;
	s0 =	simm.s32 @!p2 $0x0  }
0x16: {  	s3 =	sld [smem:$0x3FDB];
	s0 =	simm.s32 @p2 $0x1  }
0x17: {  	s4 =	simm.s32 $0x1BF5;
	[smem:$0x3FB7] =	sst s0  }
0x18: {  	s0 =	sld [smem:$0x3F9A];
	_ =	swait.ge [sflag:s4], $0x0  }
0x19: {  	s7 =	sld [smem:$0x3F9B]  }
0x1a: {  	s8 =	sadd.s32 $0xFFFFE003, lr  }
0x1b: {  	s9 =	sadd.s32 $0xFFFFFEF7, lr;
	s5 =	simm.s32 $0xFFFFFFFF;
	p2 =	slt.u32 s8, $0xFFFFF086  }
0x1c: {  	p1 =	slt.u32 s9, $0xF7A;
	s5 =	simm.s32 @!p2 $0x0  }
0x1d: {  	s5 =	simm.s32 @p1 $0x1;
	p0 =	seq.s32 s7, s2  }
0x1e: {  	s7 =	smul.u32 @!p0 $0xF7A, s2;
	p2 =	seq.s32 @!p0 s5, $0x0  }
0x1f: {  	s9 =	smul.u32 $0xF7A, s1;
	s8 =	simm.s32 @!p0 $0x1BF5;
	p2 =	por !p2, p0  }
0x20: {  	[sflag:s8] =	ssyncset.s32 @!p0 $0xFFFFF086;
	s6 =	sadd.s32 @!p0 s3, s7;
	s7 =	simm.s32 @!p0 $0x108  }
0x21: {  	s3 =	sadd.s32 s3, s9;
	s6 =	sadd.s32 @!p0 $0x88, s6;
	s7 =	simm.s32 @p2 $0x1082  }
0x22: {  	[simem:s7], [sflag:s8] =	dma.local @!p0 [hbm:s6], $0xF7A  }
0x23: {  	s9 =	sor.u32 $0xD0000000, s2;
	s6 =	simm.s32 $0x108;
	_ =	swait.ge @!p0 [sflag:s8], $0x0  }
0x24: {  	s3 =	sadd.s32 $0x88, s3;
	s6 =	simm.s32 @!p1 $0x1082;
	[sflag:s4] =	ssyncset.s32 $0xFFFFF086  }
0x25: {  	[simem:s6], [sflag:s4] =	dma.local [hbm:s3], $0xF7A  }
0x26: {  	[smem:$0x3F9B] =	sst s1;
	(tag) =	ssettag s2;
	_ =	strace s9  }
0x27: {  	s1 =	sld [smem:$0x3FAB]  }
0x28: {  	s2 =	sld [smem:$0x3FAC]  }
0x29: {  	s4 =	sld [smem:$0x3FAE]  }
0x2a: {  	p0 =	seq.s32 s5, $0x0;
	s5 =	sld [smem:$0x3FAF]  }
0x2b: {  	s6 =	sld [smem:$0x3FB0]  }
0x2c: {  	s7 =	sld [smem:$0x3FB1]  }
0x2d: {  	s3 =	simm.s32 $0x108;
	s8 =	sld [smem:$0x3FB2]  }
0x2e: {  	s3 =	simm.s32 @!p0 $0x1082;
	s9 =	sld [smem:$0x3FB3]  }
0x2f: {  	lr =	sadd.s32 s0, s3;
	s0 =	sld [smem:$0x3FAA]  }
0x30: {  	s3 =	sld [smem:$0x3FAD]  }
0x31: {  	[smem:$0x3FB6] =	sst s10  }
0x32: {  	s10 =	sld [smem:$0x3FB4];
	_ =	sdelay $0x3  }
0x33: {  	p0 =	seq.s32 s10, $0x1;
	s10 =	sld [smem:$0x3FB6];
	_ =	sdelay $0x3  }
0x34: {  	[smem:$0x3FB6] =	sst s10  }
0x35: {  	s10 =	sld [smem:$0x3FB5];
	_ =	sdelay $0x3  }
0x36: {  	p1 =	seq.s32 s10, $0x1;
	s10 =	sld [smem:$0x3FB6];
	_ =	sdelay $0x3  }
0x37: {  	[smem:$0x3FB6] =	sst s10  }
0x38: {  	s10 =	sld [smem:$0x3FB7]  }
0x39: {  	_ = 	snop;
	(pc) =	sbr.ind lr, $3  }
0x3a: {  	_ = 	snop  }
0x3b: {  	_ = 	snop  }
0x3c: {  	p2 =	seq.s32 s10, $0x1;
	s10 =	sld [smem:$0x3FB6]  }
0x3d: {  	_ =	shalt  }
0x3e: {  	_ =	shalt  }
0x3f: {  	_ =	shalt  }
0x40: {  	_ =	shalt  }
0x41: {  	_ =	shalt  }
0x42: {  	_ =	shalt  }
0x43: {  	_ =	shalt  }
0x44: {  	_ =	shalt  }
0x45: {  	_ =	shalt  }
0x46: {  	_ =	shalt  }
0x47: {  	_ =	shalt  }
0x48: {  	_ =	shalt  }
0x49: {  	_ =	shalt  }
0x4a: {  	_ =	shalt  }
0x4b: {  	_ =	shalt  }
0x4c: {  	_ =	shalt  }
0x4d: {  	_ =	shalt  }
0x4e: {  	_ =	shalt  }
0x4f: {  	_ =	shalt  }
0x50: {  	_ =	shalt  }
0x51: {  	_ =	shalt  }
0x52: {  	_ =	shalt  }
0x53: {  	_ =	shalt  }
0x54: {  	_ =	shalt  }
0x55: {  	_ =	shalt  }
0x56: {  	_ =	shalt  }
0x57: {  	_ =	shalt  }
0x58: {  	_ =	shalt  }
0x59: {  	_ =	shalt  }
0x5a: {  	_ =	shalt  }
0x5b: {  	_ =	shalt  }
0x5c: {  	_ =	shalt  }
0x5d: {  	_ =	shalt  }
0x5e: {  	_ =	shalt  }
0x5f: {  	_ =	shalt  }
0x60: {  	_ =	shalt  }
0x61: {  	_ =	shalt  }
0x62: {  	_ =	shalt  }
0x63: {  	_ =	shalt  }
0x64: {  	_ =	shalt  }
0x65: {  	_ =	shalt  }
0x66: {  	_ =	shalt  }
0x67: {  	_ =	shalt  }
0x68: {  	_ =	shalt  }
0x69: {  	_ =	shalt  }
0x6a: {  	_ =	shalt  }
0x6b: {  	_ =	shalt  }
0x6c: {  	_ =	shalt  }
0x6d: {  	_ =	shalt  }
0x6e: {  	_ =	shalt  }
0x6f: {  	_ =	shalt  }
0x70: {  	_ =	shalt  }
0x71: {  	_ =	shalt  }
0x72: {  	_ =	shalt  }
0x73: {  	_ =	shalt  }
0x74: {  	_ =	shalt  }
0x75: {  	_ =	shalt  }
0x76: {  	_ =	shalt  }
0x77: {  	_ =	shalt  }
0x78: {  	_ =	shalt  }
0x79: {  	_ =	shalt  }
0x7a: {  	_ =	shalt  }
0x7b: {  	_ =	shalt  }
0x7c: {  	_ =	shalt  }
0x7d: {  	_ =	shalt  }
0x7e: {  	_ =	shalt  }
0x7f: {  	_ =	shalt  }
0x80: {  	_ =	shalt  }
0x81: {  	_ =	shalt  }
0x82: {  	_ =	shalt  }
0x83: {  	_ =	shalt  }
0x84: {  	_ =	shalt  }
0x85: {  	_ =	shalt  }
0x86: {  	_ =	shalt  }
0x87: {  	_ =	shalt  }
.Lfunc_end0:
.L_simem_size_0:
called_computation.1_lowered:
.L_overlay_start_0:
0x88: {  	s2 =	sld [smem:$0x3FD9]  }
0x89: {  	s3 =	sld [smem:$0x3FFE];
	_ =	sdelay $0x1  }
0x8a: {  	s1 =	srdreg.scid  }
0x8b: {  	s0 =	sand.u32 $0x1, s1  }
0x8c: {  	s16 =	sshll.u32 s0, $0xA;
	s2 =	sadd.s32 s3, s2  }
0x8d: {  	s2 =	sadd.s32 s2, s16  }
0x8e: {  	[smem:$0x3FC2] =	sst s2  }
0x8f: {  	_ = 	snop  }
0x90: {  	(tm) =	ssettm $0x1  }
0x91: {  	s17 =	sld [smem:$0x3FFB];
	_ =	sdelay $0x3  }
0x92: {  	_ =	strace s17  }
0x93: {  	s2 =	sld [smem:$0x3FFC];
	_ =	sdelay $0x3  }
0x94: {  	_ =	strace s2  }
0x95: {  	s2 =	sld [smem:$0x3FFD];
	_ =	sdelay $0x3  }
0x96: {  	_ =	strace s2  }
0x97: {  	_ =	strace $0x8FFFFFFF  }
0x98: {  	s18 =	sld [smem:$0x3FDB];
	_ =	sdelay $0x1  }
0x99: {  	s19 =	simm.s32 $_scs_section_size  }
0x9a: {  	s4 =	simm.s32 $_size__tile_overlayer_lowered;
	s5 =	simm.s32 $_tile_overlayer_lowered  }
0x9b: {  	s22 =	simm.s32 $0x1BFF;
	s21 =	sshll.u32 s5, $0x1;
	s2 =	sadd.s32 s19, s18  }
0x9c: {  	s6 =	simm.s32 $0x0;
	s20 =	sshll.u32 s4, $0x1;
	s4 =	sadd.s32 s21, s2  }
0x9d: {  	[timem:s6], [sflag:s22] =	dma.local [hbm:s4], s20  }
0x9e: {  	_ =	swait.ge [sflag:s22], s20  }
0x9f: {  	s3 =	ssub.s32 $0x0, s20;
	[sflag:s22] =	ssyncset.done $0x0  }
0xa0: {  	[sflag:s22] =	ssyncadd.s32 s3;
	_ =	sdelay $0x1  }
0xa1: {  	s23 =	simm.s32 $0x1B8B  }
0xa2: {  	_ =	swait.ge [sflag:s23], $0x1  }
0xa3: {  	[sflag:s23] =	ssyncset.done $0x0  }
0xa4: {  	s25 =	simm.s32 $0x1B8E;
	s24 =	sld [smem:$0x3FFE];
	[sflag:s23] =	ssyncadd.s32 $0xFFFFFFFF  }
0xa5: {  	s26 =	simm.s32 $execute0_lowered;
	[smem:$0x3FD2] =	sst s25  }
0xa6: {  	s4 =	sshll.u32 s26, $0x1;
	_ =	strace $0x80000049;
	[dreg:$0x1] =	wrdreg $0xFFFFFFFF  }
0xa7: {  	s28 =	simm.s32 $_size_execute0_lowered;
	s2 =	sadd.s32 s2, s4;
	[dreg:$0x0] =	wrdreg $0x0  }
0xa8: {  	s4 =	sshll.u32 s28, $0x1;
	[dreg:$0x2] =	wrdreg s2  }
0xa9: {  	[dreg:$0x3] =	wrdreg s4  }
0xaa: {  	[dreg:$0x4] =	wrdreg $0xC0  }
0xab: {  	_ =	task [dreg:s6], $0x5FFFF  }
0xac: {  	[dreg:$0x1] =	wrdreg $0xFFFFFFFF  }
0xad: {  	[dreg:$0x0] =	wrdreg $0x60  }
0xae: {  	[dreg:$0x2] =	wrdreg s24  }
0xaf: {  	[dreg:$0x3] =	wrdreg $0x90000  }
0xb0: {  	[dreg:$0x4] =	wrdreg $0x9  }
0xb1: {  	_ =	task.clear_ibuf [dreg:s6], $0x5FFFF;
	_ =	strace $0x90000049  }
0xb2: {  	s29 =	simm.s32 $0x9;
	_ =	strace $0x8000004B  }
0xb3: {  	_ =	swait.ge [sflag:s29], $0x1  }
0xb4: {  	[sflag:s29] =	ssyncadd.s32 $0xFFFFFFFF  }
0xb5: {  	_ =	strace $0x9000004B  }
0xb6: {  	_ =	sfence  }
0xb7: {  	s30 =	sld [smem:$0x0];
	_ =	sdelay $0x2  }
0xb8: {  	s31 =	sshll.u32 s1, $0xD;
	s1 =	sshrl.u32 s1, $0x2  }
0xb9: {  	s3 =	sand.u32 $0x4000, s31;
	s1 =	sadd.s32 s1, s30  }
0xba: {  	s0 =	sor.u32 s3, s0;
	s1 =	sshll.u32 s1, $0x11  }
0xbb: {  	s0 =	sor.u32 s1, s0  }
0xbc: {  	s0 =	sadd.s32 $0x8F2B, s0  }
0xbd: {  	[sflag:s0] =	ssyncadd.remote.s32 $0x1  }
0xbe: {  	_ =	sfence.sel $0xFFFF  }
0xbf: {  	[dreg:$0x0] =	wrdreg $0xFFFFFFFF;
	(pc) =	sbr.abs _section_cstart, $3  }
0xc0: {  	[dreg:$0x1] =	wrdreg $0xFFFFFFFF  }
0xc1: {  	_ =	task.clear_ibuf [dreg:s6], $0x2FFFF;
	_ =	strace $0x9FFFFFFF  }
0xc2: {  	(tm) =	ssettm $0x7FFFFFFF  }
0xc3: {  	_ =	shalt  }
tec
execute0_lowered:
.L_overlay_start_1:
0x0: {  	(tag) =	ssettag $0x1  }
0x1: {  	s0 =	rddreg [dreg:$0x0]  }
0x2: {  	s2 =	rddreg [dreg:$0x1]  }
0x3: {  	s3 =	simm.s32 $0x0;
	s9 =	stileid.u32;
	s1 =	srdreg.scid  }
0x4: {  	s13 =	simm.s32 $0x3;
	s14 =	simm.s32 $0x800;
	s15 =	simm.s32 $0x80  }
0x5: {  	s16 =	simm.s32 $0x1000;
	s17 =	simm.s32 $0x1;
	s18 =	simm.s32 $0x5000  }
0x6: {  	s28 =	simm.s32 $0x100;
	s12 =	simm.s32 $0x300;
	[smem:$0x7FF] =	sst s3  }
0x7: {  	s4 =	smul.u32 $0x14000, s9;
	s1 =	sand.u32 $0x1, s1;
	s10 =	sadd.s32 $0x15800, s0  }
0x8: {  	s11 =	sadd.s32 $0x1800, s0;
	s6 =	sadd.s32 $0x1F800, s0;
	s19 =	smul.u32 $0x50000, s9  }
0x9: {  	s21 =	sshll.u32 s9, $0x6;
	s22 =	sshll.u32 s9, $0xB;
	s23 =	sshll.u32 s9, $0x9  }
0xa: {  	s9 =	simm.s32 $0xB00;
	_ =	strace $0x8000004A;
	s5 =	smul.u32 $0x140000, s1  }
0xb: {  	s8 =	ssub.s32 $0x2, s1;
	s29 =	sor.u32 $0x1C03, s21;
	[dreg:$0x7] =	wrdreg s11  }
0xc: {  	p0 =	seq.s32 s1, $0x1;
	s1 =	sor.u32 $0x8000, s23;
	[dreg:$0x5] =	wrdreg s28  }
0xd: {  	s24 =	sadd.s32 s22, s11;
	s31 =	smov.u32 s10;
	[dreg:$0xa] =	wrdreg s1  }
0xe: {  	s25 =	sadd.s32 s22, s10;
	s10 =	simm.s32 $0x980;
	[dreg:$0x3] =	wrdreg s24  }
0xf: {  	s11 =	simm.s32 $0x280;
	s21 =	simm.s32 $0xB80;
	[dreg:$0x4] =	wrdreg s25  }
0x10: {  	s22 =	simm.s32 $0x480;
	s23 =	simm.s32 $0xC00;
	[dreg:$0x6] =	wrdreg s31  }
0x11: {  	s7 =	sshrl.u32 s4, $0x3;
	s20 =	sshrl.u32 s8, $0x1;
	[dreg:$0x9] =	wrdreg s29  }
0x12: {  	s1 =	simm.s32 $0x900;
	s24 =	simm.s32 $0x500;
	s25 =	simm.s32 $0xC80  }
0x13: {  	s4 =	sadd.s32 s4, s5;
	s7 =	sadd.s32 s7, s0;
	s5 =	sshrl.u32 s19, $0x2  }
0x14: {  	s19 =	simm.s32 $0x2;
	s4 =	sshrl.u32 s4, $0x3;
	s5 =	sadd.s32 s5, s2  }
0x15: {  	s7 =	sadd.s32 $0x47800, s7;
	s0 =	sadd.s32 s4, s0;
	s4 =	ssub.s32 s8, s20  }
.Ltmp0:
0x16: {  	[dreg:$0x8] =	wrdreg s7;
	s30 =	sshrl.u32 s5, $0x3;
	(pc) =	sbr.rel .LBB2_1-.Ltmp0, $4  }
0x17: {  	s7 =	simm.s32 $0x200;
	s8 =	simm.s32 $0xA00;
	s5 =	simm.s32 $0x380  }
0x18: {  	s20 =	simm.s32 $0x400;
	s0 =	sadd.s32 $0x6F800, s0;
	[dreg:$0xd] =	wrdreg s30  }
0x19: {  	s26 =	smax.u32 s4, $0x1;
	s4 =	simm.s32 $0xA80;
	[dreg:$0xb] =	wrdreg s0  }
0x1a: {  	[dreg:$0xc] =	wrdreg s26;
	s0 =	simm.s32 $0x0;
	s26 =	simm.s32 $0x580  }
.LBB2_4:
0x1b: {  	[sflag:s13] =	ssyncadd.s32 $0xFFFFC000;
	s29 =	sadd.s32 s28, s30  }
0x1c: {  	[tilespmem:s3], [sflag:$0x3] =	stream.linear.gather [hbm4b:s29+s3], $0x800, $0x38;
	[tilespmem:$0x1D000] =	vst v63  }
0x1d: {  	_ =	swait.ge [sflag:s13], $0x800  }
0x1e: {  	s30 =	rddreg [dreg:$0x3];
	[sflag:s13] =	ssyncset.done $0x0  }
0x1f: {  	s30 =	sadd.s32 s28, s30;
	[sflag:s13] =	ssyncadd.s32 $0xFFFFF800  }
0x20: {  	[tilespmem:s14], [sflag:$0x3] =	stream.linear.gather [hbm4b:s30+s3], $0x800, $0x38;
	[tilespmem:$0x1D000] =	vst v63  }
0x21: {  	_ =	swait.ge [sflag:s13], $0x800  }
0x22: {  	[sflag:s13] =	ssyncset.done $0x0  }
0x23: {  	[sflag:s13] =	ssyncadd.s32 $0xFFFFF800  }
0x24: {  	[tilespmem:s16], [sflag:$0x1] =	stream.indirect.gather [hbm4b:s6+s15], $0x80, s3, s15, $0xb8;
	[tilespmem:$0x1D000] =	vst v63  }
0x25: {  	_ =	swait.ge [sflag:s17], $0x4000  }
0x26: {  	[sflag:s17] =	ssyncset.done $0x0  }
0x27: {  	[sflag:s17] =	ssyncadd.s32 $0xFFFFC000  }
0x28: {  	[tilespmem:s18], [sflag:$0x2] =	stream.indirect.gather [hbm4b:s6+s15], $0x80, s15, s15, $0xb8;
	[tilespmem:$0x1D000] =	vst v63  }
0x29: {  	_ = 	snop  }
0x2a: {  	[spmem:s2] =	stream.indirect.scatter.add.f32 [tilespmem:s16], [sflag:$0x3], $0x80, s14, s15, $0xb8;
	[tilespmem:$0x1D000] =	vst v63  }
0x2b: {  	_ =	swait.ge [sflag:s13], $0x4000  }
0x2c: {  	[sflag:s13] =	ssyncset.done $0x0  }
0x2d: {  	[sflag:s13] =	ssyncadd.s32 $0xFFFFC000  }
0x2e: {  	_ =	swait.ge [sflag:s19], $0x4000  }
0x2f: {  	[sflag:s19] =	ssyncset.done $0x0  }
0x30: {  	s29 =	rddreg [dreg:$0x5];
	[sflag:s19] =	ssyncadd.s32 $0xFFFFC000  }
0x31: {  	[tilespmem:s16], [sflag:$0x1] =	stream.indirect.gather [hbm4b:s6+s15], $0x80, s29, s15, $0xb8;
	[tilespmem:$0x1D000] =	vst v63  }
0x32: {  	_ = 	snop  }
0x33: {  	[spmem:s2] =	stream.indirect.scatter.add.f32 [tilespmem:s18], [sflag:$0x3], $0x80, s31, s15, $0xb8;
	[tilespmem:$0x1D000] =	vst v63  }
0x34: {  	_ =	swait.ge [sflag:s13], $0x4000  }
0x35: {  	[sflag:s13] =	ssyncset.done $0x0  }
0x36: {  	[sflag:s13] =	ssyncadd.s32 $0xFFFFC000  }
0x37: {  	_ =	swait.ge [sflag:s17], $0x4000  }
0x38: {  	[sflag:s17] =	ssyncset.done $0x0  }
0x39: {  	[sflag:s17] =	ssyncadd.s32 $0xFFFFC000  }
0x3a: {  	[tilespmem:s18], [sflag:$0x2] =	stream.indirect.gather [hbm4b:s6+s15], $0x80, s0, s15, $0xb8;
	[tilespmem:$0x1D000] =	vst v63  }
0x3b: {  	_ = 	snop  }
0x3c: {  	[spmem:s2] =	stream.indirect.scatter.add.f32 [tilespmem:s16], [sflag:$0x3], $0x80, s1, s15, $0xb8;
	[tilespmem:$0x1D000] =	vst v63  }
0x3d: {  	_ =	swait.ge [sflag:s13], $0x4000  }
0x3e: {  	[sflag:s13] =	ssyncset.done $0x0  }
0x3f: {  	[sflag:s13] =	ssyncadd.s32 $0xFFFFC000  }
0x40: {  	_ =	swait.ge [sflag:s19], $0x4000  }
0x41: {  	[sflag:s19] =	ssyncset.done $0x0  }
0x42: {  	[sflag:s19] =	ssyncadd.s32 $0xFFFFC000  }
0x43: {  	[tilespmem:s16], [sflag:$0x1] =	stream.indirect.gather [hbm4b:s6+s15], $0x80, s7, s15, $0xb8;
	[tilespmem:$0x1D000] =	vst v63  }
0x44: {  	_ = 	snop  }
0x45: {  	[spmem:s2] =	stream.indirect.scatter.add.f32 [tilespmem:s18], [sflag:$0x3], $0x80, s10, s15, $0xb8;
	[tilespmem:$0x1D000] =	vst v63  }
0x46: {  	_ =	swait.ge [sflag:s13], $0x4000  }
0x47: {  	[sflag:s13] =	ssyncset.done $0x0  }
0x48: {  	[sflag:s13] =	ssyncadd.s32 $0xFFFFC000  }
0x49: {  	_ =	swait.ge [sflag:s17], $0x4000  }
0x4a: {  	[sflag:s17] =	ssyncset.done $0x0  }
0x4b: {  	[sflag:s17] =	ssyncadd.s32 $0xFFFFC000  }
0x4c: {  	[tilespmem:s18], [sflag:$0x2] =	stream.indirect.gather [hbm4b:s6+s15], $0x80, s11, s15, $0xb8;
	[tilespmem:$0x1D000] =	vst v63  }
0x4d: {  	_ = 	snop  }
0x4e: {  	[spmem:s2] =	stream.indirect.scatter.add.f32 [tilespmem:s16], [sflag:$0x3], $0x80, s8, s15, $0xb8;
	[tilespmem:$0x1D000] =	vst v63  }
0x4f: {  	_ =	swait.ge [sflag:s13], $0x4000  }
0x50: {  	[sflag:s13] =	ssyncset.done $0x0  }
0x51: {  	[sflag:s13] =	ssyncadd.s32 $0xFFFFC000  }
0x52: {  	_ =	swait.ge [sflag:s19], $0x4000  }
0x53: {  	[sflag:s19] =	ssyncset.done $0x0  }
0x54: {  	[sflag:s19] =	ssyncadd.s32 $0xFFFFC000  }
0x55: {  	[tilespmem:s16], [sflag:$0x1] =	stream.indirect.gather [hbm4b:s6+s15], $0x80, s12, s15, $0xb8;
	[tilespmem:$0x1D000] =	vst v63  }
0x56: {  	_ = 	snop  }
0x57: {  	[spmem:s2] =	stream.indirect.scatter.add.f32 [tilespmem:s18], [sflag:$0x3], $0x80, s4, s15, $0xb8;
	[tilespmem:$0x1D000] =	vst v63  }
0x58: {  	_ =	swait.ge [sflag:s13], $0x4000  }
0x59: {  	[sflag:s13] =	ssyncset.done $0x0  }
0x5a: {  	[sflag:s13] =	ssyncadd.s32 $0xFFFFC000  }
0x5b: {  	_ =	swait.ge [sflag:s17], $0x4000  }
0x5c: {  	[sflag:s17] =	ssyncset.done $0x0  }
0x5d: {  	[sflag:s17] =	ssyncadd.s32 $0xFFFFC000  }
0x5e: {  	[tilespmem:s18], [sflag:$0x2] =	stream.indirect.gather [hbm4b:s6+s15], $0x80, s5, s15, $0xb8;
	[tilespmem:$0x1D000] =	vst v63  }
0x5f: {  	_ = 	snop  }
0x60: {  	[spmem:s2] =	stream.indirect.scatter.add.f32 [tilespmem:s16], [sflag:$0x3], $0x80, s9, s15, $0xb8;
	[tilespmem:$0x1D000] =	vst v63  }
0x61: {  	_ =	swait.ge [sflag:s13], $0x4000  }
0x62: {  	[sflag:s13] =	ssyncset.done $0x0  }
0x63: {  	[sflag:s13] =	ssyncadd.s32 $0xFFFFC000  }
0x64: {  	_ =	swait.ge [sflag:s19], $0x4000  }
0x65: {  	[sflag:s19] =	ssyncset.done $0x0  }
0x66: {  	[sflag:s19] =	ssyncadd.s32 $0xFFFFC000  }
0x67: {  	[tilespmem:s16], [sflag:$0x1] =	stream.indirect.gather [hbm4b:s6+s15], $0x80, s20, s15, $0xb8;
	[tilespmem:$0x1D000] =	vst v63  }
0x68: {  	_ = 	snop  }
0x69: {  	[spmem:s2] =	stream.indirect.scatter.add.f32 [tilespmem:s18], [sflag:$0x3], $0x80, s21, s15, $0xb8;
	[tilespmem:$0x1D000] =	vst v63  }
0x6a: {  	_ =	swait.ge [sflag:s13], $0x4000  }
0x6b: {  	[sflag:s13] =	ssyncset.done $0x0  }
0x6c: {  	[sflag:s13] =	ssyncadd.s32 $0xFFFFC000  }
0x6d: {  	_ =	swait.ge [sflag:s17], $0x4000  }
0x6e: {  	[sflag:s17] =	ssyncset.done $0x0  }
0x6f: {  	[sflag:s17] =	ssyncadd.s32 $0xFFFFC000  }
0x70: {  	[tilespmem:s18], [sflag:$0x2] =	stream.indirect.gather [hbm4b:s6+s15], $0x80, s22, s15, $0xb8;
	[tilespmem:$0x1D000] =	vst v63  }
0x71: {  	_ = 	snop  }
0x72: {  	[spmem:s2] =	stream.indirect.scatter.add.f32 [tilespmem:s16], [sflag:$0x3], $0x80, s23, s15, $0xb8;
	[tilespmem:$0x1D000] =	vst v63  }
0x73: {  	_ =	swait.ge [sflag:s13], $0x4000  }
0x74: {  	[sflag:s13] =	ssyncset.done $0x0  }
0x75: {  	[sflag:s13] =	ssyncadd.s32 $0xFFFFC000  }
0x76: {  	_ =	swait.ge [sflag:s19], $0x4000  }
0x77: {  	[sflag:s19] =	ssyncset.done $0x0  }
0x78: {  	[sflag:s19] =	ssyncadd.s32 $0xFFFFC000  }
0x79: {  	[tilespmem:s16], [sflag:$0x1] =	stream.indirect.gather [hbm4b:s6+s15], $0x80, s24, s15, $0xb8;
	[tilespmem:$0x1D000] =	vst v63  }
0x7a: {  	_ = 	snop  }
0x7b: {  	[spmem:s2] =	stream.indirect.scatter.add.f32 [tilespmem:s18], [sflag:$0x3], $0x80, s25, s15, $0xb8;
	[tilespmem:$0x1D000] =	vst v63  }
0x7c: {  	_ =	swait.ge [sflag:s13], $0x4000  }
0x7d: {  	[sflag:s13] =	ssyncset.done $0x0  }
0x7e: {  	[sflag:s13] =	ssyncadd.s32 $0xFFFFC000  }
0x7f: {  	_ =	swait.ge [sflag:s17], $0x4000  }
0x80: {  	[sflag:s17] =	ssyncset.done $0x0  }
0x81: {  	[sflag:s17] =	ssyncadd.s32 $0xFFFFC000  }
0x82: {  	[tilespmem:s18], [sflag:$0x2] =	stream.indirect.gather [hbm4b:s6+s15], $0x80, s26, s15, $0xb8;
	[tilespmem:$0x1D000] =	vst v63  }
0x83: {  	s30 =	simm.s32 $0xD00  }
0x84: {  	[spmem:s2] =	stream.indirect.scatter.add.f32 [tilespmem:s16], [sflag:$0x3], $0x80, s30, s15, $0xb8;
	[tilespmem:$0x1D000] =	vst v63  }
0x85: {  	_ =	swait.ge [sflag:s13], $0x4000  }
0x86: {  	[sflag:s13] =	ssyncset.done $0x0  }
0x87: {  	[sflag:s13] =	ssyncadd.s32 $0xFFFFC000  }
0x88: {  	_ =	swait.ge [sflag:s19], $0x4000  }
0x89: {  	[sflag:s19] =	ssyncset.done $0x0  }
0x8a: {  	s28 =	simm.s32 $0x600;
	[sflag:s19] =	ssyncadd.s32 $0xFFFFC000  }
0x8b: {  	[tilespmem:s16], [sflag:$0x1] =	stream.indirect.gather [hbm4b:s6+s15], $0x80, s28, s15, $0xb8;
	[tilespmem:$0x1D000] =	vst v63  }
0x8c: {  	s29 =	simm.s32 $0xD80  }
0x8d: {  	[spmem:s2] =	stream.indirect.scatter.add.f32 [tilespmem:s18], [sflag:$0x3], $0x80, s29, s15, $0xb8;
	[tilespmem:$0x1D000] =	vst v63  }
0x8e: {  	_ =	swait.ge [sflag:s13], $0x4000  }
0x8f: {  	[sflag:s13] =	ssyncset.done $0x0  }
0x90: {  	[sflag:s13] =	ssyncadd.s32 $0xFFFFC000  }
0x91: {  	_ =	swait.ge [sflag:s17], $0x4000  }
0x92: {  	[sflag:s17] =	ssyncset.done $0x0  }
0x93: {  	s30 =	simm.s32 $0x680;
	[sflag:s17] =	ssyncadd.s32 $0xFFFFC000  }
0x94: {  	[tilespmem:s18], [sflag:$0x2] =	stream.indirect.gather [hbm4b:s6+s15], $0x80, s30, s15, $0xb8;
	[tilespmem:$0x1D000] =	vst v63  }
0x95: {  	s28 =	simm.s32 $0xE00  }
0x96: {  	[spmem:s2] =	stream.indirect.scatter.add.f32 [tilespmem:s16], [sflag:$0x3], $0x80, s28, s15, $0xb8;
	[tilespmem:$0x1D000] =	vst v63  }
0x97: {  	_ =	swait.ge [sflag:s13], $0x4000  }
0x98: {  	[sflag:s13] =	ssyncset.done $0x0  }
0x99: {  	[sflag:s13] =	ssyncadd.s32 $0xFFFFC000  }
0x9a: {  	_ =	swait.ge [sflag:s19], $0x4000  }
0x9b: {  	[sflag:s19] =	ssyncset.done $0x0  }
0x9c: {  	s29 =	simm.s32 $0x700;
	[sflag:s19] =	ssyncadd.s32 $0xFFFFC000  }
0x9d: {  	[tilespmem:s16], [sflag:$0x1] =	stream.indirect.gather [hbm4b:s6+s15], $0x80, s29, s15, $0xb8;
	[tilespmem:$0x1D000] =	vst v63  }
0x9e: {  	s30 =	simm.s32 $0xE80  }
0x9f: {  	[spmem:s2] =	stream.indirect.scatter.add.f32 [tilespmem:s18], [sflag:$0x3], $0x80, s30, s15, $0xb8;
	[tilespmem:$0x1D000] =	vst v63  }
0xa0: {  	_ =	swait.ge [sflag:s13], $0x4000  }
0xa1: {  	[sflag:s13] =	ssyncset.done $0x0  }
0xa2: {  	[sflag:s13] =	ssyncadd.s32 $0xFFFFC000  }
0xa3: {  	_ =	swait.ge [sflag:s17], $0x4000  }
0xa4: {  	[sflag:s17] =	ssyncset.done $0x0  }
0xa5: {  	s28 =	simm.s32 $0x780;
	[sflag:s17] =	ssyncadd.s32 $0xFFFFC000  }
0xa6: {  	[tilespmem:s18], [sflag:$0x2] =	stream.indirect.gather [hbm4b:s6+s15], $0x80, s28, s15, $0xb8;
	[tilespmem:$0x1D000] =	vst v63  }
0xa7: {  	s29 =	simm.s32 $0xF00  }
0xa8: {  	[spmem:s2] =	stream.indirect.scatter.add.f32 [tilespmem:s16], [sflag:$0x3], $0x80, s29, s15, $0xb8;
	[tilespmem:$0x1D000] =	vst v63  }
0xa9: {  	_ =	swait.ge [sflag:s13], $0x4000  }
0xaa: {  	[sflag:s13] =	ssyncset.done $0x0  }
0xab: {  	[sflag:s13] =	ssyncadd.s32 $0xFFFFC000  }
0xac: {  	_ =	swait.ge [sflag:s19], $0x4000  }
0xad: {  	[sflag:s19] =	ssyncset.done $0x0  }
0xae: {  	s30 =	simm.s32 $0xF80;
	[sflag:s19] =	ssyncadd.s32 $0xFFFFC000  }
0xaf: {  	[spmem:s2] =	stream.indirect.scatter.add.f32 [tilespmem:s18], [sflag:$0x3], $0x80, s30, s15, $0xb8;
	[tilespmem:$0x1D000] =	vst v63  }
0xb0: {  	_ =	swait.ge [sflag:s13], $0x4000  }
0xb1: {  	[sflag:s13] =	ssyncset.done $0x0  }
0xb2: {  	s31 =	rddreg [dreg:$0x6];
	[sflag:s13] =	ssyncadd.s32 $0xFFFFC000  }
.LBB2_6:
0xb3: {  	[bflag:$0x0] =	sbarrier.arrive $0xFFFF  }
0xb4: {  	s29 =	rddreg [dreg:$0x9]  }
0xb5: {  	s28 =	rddreg [dreg:$0xb]  }
0xb6: {  	s30 =	rddreg [dreg:$0xd]  }
0xb7: {  	[hbm:s28], [sflag:s29] =	dma.local [spmem:s30], $0x2800  }
0xb8: {  	_ =	swait.ge [sflag:s13], $0x2800  }
0xb9: {  	s0 =	rddreg [dreg:$0xe]  }
0xba: {  	s28 =	rddreg [dreg:$0xc];
	s0 =	sadd.s32 $0x1, s0  }
0xbb: {  	p1 =	sne.s32 s0, s28  }
.Ltmp1:
0xbc: {  	_ = 	snop;
	(pc) =	sbr.rel @!p1 .LBB2_7-.Ltmp1, $3  }
0xbd: {  	_ =	sdelay $0x1  }
0xbe: {  	[sflag:s13] =	ssyncset.done $0x0  }
0xbf: {  	[sflag:s13] =	ssyncadd.s32 $0xFFFFD800  }
.LBB2_1:
0xc0: {  	[dreg:$0xe] =	wrdreg s0  }
0xc1: {  	s28 =	rddreg [dreg:$0x8]  }
0xc2: {  	[spmem:s30], [sflag:s29] =	dma.local [hbm:s28], $0x2800  }
.Ltmp2:
0xc3: {  	_ =	swait.ge [sflag:s13], $0x2800;
	(pc) =	sbr.rel @!p0 .LBB2_2-.Ltmp2, $4  }
0xc4: {  	[sflag:s13] =	ssyncset.done $0x0  }
0xc5: {  	[sflag:s13] =	ssyncadd.s32 $0xFFFFD800  }
0xc6: {  	p1 =	por $0x1, $0x1;
	[bflag:$0x0] =	sbarrier.arrive $0xFFFF  }
0xc7: {  	s0 =	simm.s32 $0x180;
	s28 =	simm.s32 $0x0;
	s30 =	rddreg [dreg:$0x7]  }
.LBB2_5:
0xc8: {  	s29 =	rddreg [dreg:$0xa]  }
0xc9: {  	s28 =	sor.u32 s29, s28  }
0xca: {  	s29 =	sadd.s32 s31, s28  }
0xcb: {  	[tilespmem:s3], [sflag:$0x3] =	stream.linear.gather [hbm4b:s29+s3], $0x800, $0x38;
	[tilespmem:$0x1D000] =	vst v63  }
0xcc: {  	_ =	swait.ge [sflag:s13], $0x800  }
0xcd: {  	[sflag:s13] =	ssyncset.done $0x0  }
0xce: {  	s28 =	sadd.s32 s30, s28;
	[sflag:s13] =	ssyncadd.s32 $0xFFFFF800  }
0xcf: {  	[tilespmem:s14], [sflag:$0x3] =	stream.linear.gather [hbm4b:s28+s3], $0x800, $0x38;
	[tilespmem:$0x1D000] =	vst v63  }
0xd0: {  	_ =	swait.ge [sflag:s13], $0x800  }
0xd1: {  	[sflag:s13] =	ssyncset.done $0x0  }
0xd2: {  	[sflag:s13] =	ssyncadd.s32 $0xFFFFF800  }
0xd3: {  	[tilespmem:s16], [sflag:$0x1] =	stream.indirect.gather [hbm4b:s6+s15], $0x80, s3, s15, $0xb8;
	[tilespmem:$0x1D000] =	vst v63  }
0xd4: {  	_ =	swait.ge [sflag:s17], $0x4000  }
0xd5: {  	[sflag:s17] =	ssyncset.done $0x0  }
0xd6: {  	[sflag:s17] =	ssyncadd.s32 $0xFFFFC000  }
0xd7: {  	[tilespmem:s18], [sflag:$0x2] =	stream.indirect.gather [hbm4b:s6+s15], $0x80, s15, s15, $0xb8;
	[tilespmem:$0x1D000] =	vst v63  }
0xd8: {  	_ = 	snop  }
0xd9: {  	[spmem:s2] =	stream.indirect.scatter.add.f32 [tilespmem:s16], [sflag:$0x3], $0x80, s14, s15, $0xb8;
	[tilespmem:$0x1D000] =	vst v63  }
0xda: {  	_ =	swait.ge [sflag:s13], $0x4000  }
0xdb: {  	[sflag:s13] =	ssyncset.done $0x0  }
0xdc: {  	[sflag:s13] =	ssyncadd.s32 $0xFFFFC000  }
0xdd: {  	_ =	swait.ge [sflag:s19], $0x4000  }
0xde: {  	[sflag:s19] =	ssyncset.done $0x0  }
0xdf: {  	s28 =	simm.s32 $0x100;
	[sflag:s19] =	ssyncadd.s32 $0xFFFFC000  }
0xe0: {  	[tilespmem:s16], [sflag:$0x1] =	stream.indirect.gather [hbm4b:s6+s15], $0x80, s28, s15, $0xb8;
	[tilespmem:$0x1D000] =	vst v63  }
0xe1: {  	s29 =	simm.s32 $0x880  }
0xe2: {  	[spmem:s2] =	stream.indirect.scatter.add.f32 [tilespmem:s18], [sflag:$0x3], $0x80, s29, s15, $0xb8;
	[tilespmem:$0x1D000] =	vst v63  }
0xe3: {  	_ =	swait.ge [sflag:s13], $0x4000  }
0xe4: {  	[sflag:s13] =	ssyncset.done $0x0  }
0xe5: {  	[sflag:s13] =	ssyncadd.s32 $0xFFFFC000  }
0xe6: {  	_ =	swait.ge [sflag:s17], $0x4000  }
0xe7: {  	[sflag:s17] =	ssyncset.done $0x0  }
0xe8: {  	[sflag:s17] =	ssyncadd.s32 $0xFFFFC000  }
0xe9: {  	[tilespmem:s18], [sflag:$0x2] =	stream.indirect.gather [hbm4b:s6+s15], $0x80, s0, s15, $0xb8;
	[tilespmem:$0x1D000] =	vst v63  }
0xea: {  	_ = 	snop  }
0xeb: {  	[spmem:s2] =	stream.indirect.scatter.add.f32 [tilespmem:s16], [sflag:$0x3], $0x80, s1, s15, $0xb8;
	[tilespmem:$0x1D000] =	vst v63  }
0xec: {  	_ =	swait.ge [sflag:s13], $0x4000  }
0xed: {  	[sflag:s13] =	ssyncset.done $0x0  }
0xee: {  	[sflag:s13] =	ssyncadd.s32 $0xFFFFC000  }
0xef: {  	_ =	swait.ge [sflag:s19], $0x4000  }
0xf0: {  	[sflag:s19] =	ssyncset.done $0x0  }
0xf1: {  	[sflag:s19] =	ssyncadd.s32 $0xFFFFC000  }
0xf2: {  	[tilespmem:s16], [sflag:$0x1] =	stream.indirect.gather [hbm4b:s6+s15], $0x80, s7, s15, $0xb8;
	[tilespmem:$0x1D000] =	vst v63  }
0xf3: {  	_ = 	snop  }
0xf4: {  	[spmem:s2] =	stream.indirect.scatter.add.f32 [tilespmem:s18], [sflag:$0x3], $0x80, s10, s15, $0xb8;
	[tilespmem:$0x1D000] =	vst v63  }
0xf5: {  	_ =	swait.ge [sflag:s13], $0x4000  }
0xf6: {  	[sflag:s13] =	ssyncset.done $0x0  }
0xf7: {  	[sflag:s13] =	ssyncadd.s32 $0xFFFFC000  }
0xf8: {  	_ =	swait.ge [sflag:s17], $0x4000  }
0xf9: {  	[sflag:s17] =	ssyncset.done $0x0  }
0xfa: {  	[sflag:s17] =	ssyncadd.s32 $0xFFFFC000  }
0xfb: {  	[tilespmem:s18], [sflag:$0x2] =	stream.indirect.gather [hbm4b:s6+s15], $0x80, s11, s15, $0xb8;
	[tilespmem:$0x1D000] =	vst v63  }
0xfc: {  	_ = 	snop  }
0xfd: {  	[spmem:s2] =	stream.indirect.scatter.add.f32 [tilespmem:s16], [sflag:$0x3], $0x80, s8, s15, $0xb8;
	[tilespmem:$0x1D000] =	vst v63  }
0xfe: {  	_ =	swait.ge [sflag:s13], $0x4000  }
0xff: {  	[sflag:s13] =	ssyncset.done $0x0  }
0x100: {  	[sflag:s13] =	ssyncadd.s32 $0xFFFFC000  }
0x101: {  	_ =	swait.ge [sflag:s19], $0x4000  }
0x102: {  	[sflag:s19] =	ssyncset.done $0x0  }
0x103: {  	[sflag:s19] =	ssyncadd.s32 $0xFFFFC000  }
0x104: {  	[tilespmem:s16], [sflag:$0x1] =	stream.indirect.gather [hbm4b:s6+s15], $0x80, s12, s15, $0xb8;
	[tilespmem:$0x1D000] =	vst v63  }
0x105: {  	_ = 	snop  }
0x106: {  	[spmem:s2] =	stream.indirect.scatter.add.f32 [tilespmem:s18], [sflag:$0x3], $0x80, s4, s15, $0xb8;
	[tilespmem:$0x1D000] =	vst v63  }
0x107: {  	_ =	swait.ge [sflag:s13], $0x4000  }
0x108: {  	[sflag:s13] =	ssyncset.done $0x0  }
0x109: {  	[sflag:s13] =	ssyncadd.s32 $0xFFFFC000  }
0x10a: {  	_ =	swait.ge [sflag:s17], $0x4000  }
0x10b: {  	[sflag:s17] =	ssyncset.done $0x0  }
0x10c: {  	[sflag:s17] =	ssyncadd.s32 $0xFFFFC000  }
0x10d: {  	[tilespmem:s18], [sflag:$0x2] =	stream.indirect.gather [hbm4b:s6+s15], $0x80, s5, s15, $0xb8;
	[tilespmem:$0x1D000] =	vst v63  }
0x10e: {  	_ = 	snop  }
0x10f: {  	[spmem:s2] =	stream.indirect.scatter.add.f32 [tilespmem:s16], [sflag:$0x3], $0x80, s9, s15, $0xb8;
	[tilespmem:$0x1D000] =	vst v63  }
0x110: {  	_ =	swait.ge [sflag:s13], $0x4000  }
0x111: {  	[sflag:s13] =	ssyncset.done $0x0  }
0x112: {  	[sflag:s13] =	ssyncadd.s32 $0xFFFFC000  }
0x113: {  	_ =	swait.ge [sflag:s19], $0x4000  }
0x114: {  	[sflag:s19] =	ssyncset.done $0x0  }
0x115: {  	[sflag:s19] =	ssyncadd.s32 $0xFFFFC000  }
0x116: {  	[tilespmem:s16], [sflag:$0x1] =	stream.indirect.gather [hbm4b:s6+s15], $0x80, s20, s15, $0xb8;
	[tilespmem:$0x1D000] =	vst v63  }
0x117: {  	_ = 	snop  }
0x118: {  	[spmem:s2] =	stream.indirect.scatter.add.f32 [tilespmem:s18], [sflag:$0x3], $0x80, s21, s15, $0xb8;
	[tilespmem:$0x1D000] =	vst v63  }
0x119: {  	_ =	swait.ge [sflag:s13], $0x4000  }
0x11a: {  	[sflag:s13] =	ssyncset.done $0x0  }
0x11b: {  	[sflag:s13] =	ssyncadd.s32 $0xFFFFC000  }
0x11c: {  	_ =	swait.ge [sflag:s17], $0x4000  }
0x11d: {  	[sflag:s17] =	ssyncset.done $0x0  }
0x11e: {  	[sflag:s17] =	ssyncadd.s32 $0xFFFFC000  }
0x11f: {  	[tilespmem:s18], [sflag:$0x2] =	stream.indirect.gather [hbm4b:s6+s15], $0x80, s22, s15, $0xb8;
	[tilespmem:$0x1D000] =	vst v63  }
0x120: {  	_ = 	snop  }
0x121: {  	[spmem:s2] =	stream.indirect.scatter.add.f32 [tilespmem:s16], [sflag:$0x3], $0x80, s23, s15, $0xb8;
	[tilespmem:$0x1D000] =	vst v63  }
0x122: {  	_ =	swait.ge [sflag:s13], $0x4000  }
0x123: {  	[sflag:s13] =	ssyncset.done $0x0  }
0x124: {  	[sflag:s13] =	ssyncadd.s32 $0xFFFFC000  }
0x125: {  	_ =	swait.ge [sflag:s19], $0x4000  }
0x126: {  	[sflag:s19] =	ssyncset.done $0x0  }
0x127: {  	[sflag:s19] =	ssyncadd.s32 $0xFFFFC000  }
0x128: {  	[tilespmem:s16], [sflag:$0x1] =	stream.indirect.gather [hbm4b:s6+s15], $0x80, s24, s15, $0xb8;
	[tilespmem:$0x1D000] =	vst v63  }
0x129: {  	_ = 	snop  }
0x12a: {  	[spmem:s2] =	stream.indirect.scatter.add.f32 [tilespmem:s18], [sflag:$0x3], $0x80, s25, s15, $0xb8;
	[tilespmem:$0x1D000] =	vst v63  }
0x12b: {  	_ =	swait.ge [sflag:s13], $0x4000  }
0x12c: {  	[sflag:s13] =	ssyncset.done $0x0  }
0x12d: {  	[sflag:s13] =	ssyncadd.s32 $0xFFFFC000  }
0x12e: {  	_ =	swait.ge [sflag:s17], $0x4000  }
0x12f: {  	[sflag:s17] =	ssyncset.done $0x0  }
0x130: {  	[sflag:s17] =	ssyncadd.s32 $0xFFFFC000  }
0x131: {  	[tilespmem:s18], [sflag:$0x2] =	stream.indirect.gather [hbm4b:s6+s15], $0x80, s26, s15, $0xb8;
	[tilespmem:$0x1D000] =	vst v63  }
0x132: {  	s29 =	simm.s32 $0xD00  }
0x133: {  	[spmem:s2] =	stream.indirect.scatter.add.f32 [tilespmem:s16], [sflag:$0x3], $0x80, s29, s15, $0xb8;
	[tilespmem:$0x1D000] =	vst v63  }
0x134: {  	_ =	swait.ge [sflag:s13], $0x4000  }
0x135: {  	[sflag:s13] =	ssyncset.done $0x0  }
0x136: {  	[sflag:s13] =	ssyncadd.s32 $0xFFFFC000  }
0x137: {  	_ =	swait.ge [sflag:s19], $0x4000  }
0x138: {  	[sflag:s19] =	ssyncset.done $0x0  }
0x139: {  	s29 =	simm.s32 $0x600;
	[sflag:s19] =	ssyncadd.s32 $0xFFFFC000  }
0x13a: {  	[tilespmem:s16], [sflag:$0x1] =	stream.indirect.gather [hbm4b:s6+s15], $0x80, s29, s15, $0xb8;
	[tilespmem:$0x1D000] =	vst v63  }
0x13b: {  	s29 =	simm.s32 $0xD80  }
0x13c: {  	[spmem:s2] =	stream.indirect.scatter.add.f32 [tilespmem:s18], [sflag:$0x3], $0x80, s29, s15, $0xb8;
	[tilespmem:$0x1D000] =	vst v63  }
0x13d: {  	_ =	swait.ge [sflag:s13], $0x4000  }
0x13e: {  	[sflag:s13] =	ssyncset.done $0x0  }
0x13f: {  	[sflag:s13] =	ssyncadd.s32 $0xFFFFC000  }
0x140: {  	_ =	swait.ge [sflag:s17], $0x4000  }
0x141: {  	[sflag:s17] =	ssyncset.done $0x0  }
0x142: {  	s29 =	simm.s32 $0x680;
	[sflag:s17] =	ssyncadd.s32 $0xFFFFC000  }
0x143: {  	[tilespmem:s18], [sflag:$0x2] =	stream.indirect.gather [hbm4b:s6+s15], $0x80, s29, s15, $0xb8;
	[tilespmem:$0x1D000] =	vst v63  }
0x144: {  	s29 =	simm.s32 $0xE00  }
0x145: {  	[spmem:s2] =	stream.indirect.scatter.add.f32 [tilespmem:s16], [sflag:$0x3], $0x80, s29, s15, $0xb8;
	[tilespmem:$0x1D000] =	vst v63  }
0x146: {  	_ =	swait.ge [sflag:s13], $0x4000  }
0x147: {  	[sflag:s13] =	ssyncset.done $0x0  }
0x148: {  	[sflag:s13] =	ssyncadd.s32 $0xFFFFC000  }
0x149: {  	_ =	swait.ge [sflag:s19], $0x4000  }
0x14a: {  	[sflag:s19] =	ssyncset.done $0x0  }
0x14b: {  	s29 =	simm.s32 $0x700;
	[sflag:s19] =	ssyncadd.s32 $0xFFFFC000  }
0x14c: {  	[tilespmem:s16], [sflag:$0x1] =	stream.indirect.gather [hbm4b:s6+s15], $0x80, s29, s15, $0xb8;
	[tilespmem:$0x1D000] =	vst v63  }
0x14d: {  	s29 =	simm.s32 $0xE80  }
0x14e: {  	[spmem:s2] =	stream.indirect.scatter.add.f32 [tilespmem:s18], [sflag:$0x3], $0x80, s29, s15, $0xb8;
	[tilespmem:$0x1D000] =	vst v63  }
0x14f: {  	_ =	swait.ge [sflag:s13], $0x4000  }
0x150: {  	[sflag:s13] =	ssyncset.done $0x0  }
0x151: {  	[sflag:s13] =	ssyncadd.s32 $0xFFFFC000  }
0x152: {  	_ =	swait.ge [sflag:s17], $0x4000  }
0x153: {  	[sflag:s17] =	ssyncset.done $0x0  }
0x154: {  	s29 =	simm.s32 $0x780;
	[sflag:s17] =	ssyncadd.s32 $0xFFFFC000  }
0x155: {  	[tilespmem:s18], [sflag:$0x2] =	stream.indirect.gather [hbm4b:s6+s15], $0x80, s29, s15, $0xb8;
	[tilespmem:$0x1D000] =	vst v63  }
0x156: {  	s29 =	simm.s32 $0xF00  }
0x157: {  	[spmem:s2] =	stream.indirect.scatter.add.f32 [tilespmem:s16], [sflag:$0x3], $0x80, s29, s15, $0xb8;
	[tilespmem:$0x1D000] =	vst v63  }
0x158: {  	_ =	swait.ge [sflag:s13], $0x4000  }
0x159: {  	[sflag:s13] =	ssyncset.done $0x0  }
0x15a: {  	[sflag:s13] =	ssyncadd.s32 $0xFFFFC000  }
0x15b: {  	_ =	swait.ge [sflag:s19], $0x4000  }
0x15c: {  	p2 =	por p1, p1;
	[sflag:s19] =	ssyncset.done $0x0  }
.Ltmp3:
0x15d: {  	s29 =	simm.s32 $0xF80;
	[sflag:s19] =	ssyncadd.s32 $0xFFFFC000;
	(pc) =	sbr.rel @p2 .LBB2_5-.Ltmp3, $4  }
0x15e: {  	[spmem:s2] =	stream.indirect.scatter.add.f32 [tilespmem:s18], [sflag:$0x3], $0x80, s29, s15, $0xb8;
	[tilespmem:$0x1D000] =	vst v63  }
0x15f: {  	_ =	swait.ge [sflag:s13], $0x4000  }
0x160: {  	[sflag:s13] =	ssyncset.done $0x0  }
0x161: {  	p1 =	por $0x0, $0x0;
	[sflag:s13] =	ssyncadd.s32 $0xFFFFC000  }
.Ltmp4:
0x162: {  	_ = 	snop;
	(pc) =	sbr.rel .LBB2_6-.Ltmp4, $1  }
0x163: {  	_ =	sdelay $0x3  }
.LBB2_2:
0x164: {  	s28 =	rddreg [dreg:$0x4]  }
0x165: {  	s28 =	sadd.s32 $0x0, s28  }
0x166: {  	[tilespmem:s3], [sflag:$0x3] =	stream.linear.gather [hbm4b:s28+s3], $0x800, $0x38;
	[tilespmem:$0x1D000] =	vst v63  }
0x167: {  	_ =	swait.ge [sflag:s13], $0x800  }
0x168: {  	s28 =	rddreg [dreg:$0x3];
	[sflag:s13] =	ssyncset.done $0x0  }
0x169: {  	[sflag:s13] =	ssyncadd.s32 $0xFFFFF800;
	s28 =	sadd.s32 $0x0, s28  }
0x16a: {  	[tilespmem:s14], [sflag:$0x3] =	stream.linear.gather [hbm4b:s28+s3], $0x800, $0x38;
	[tilespmem:$0x1D000] =	vst v63  }
0x16b: {  	_ =	swait.ge [sflag:s13], $0x800  }
0x16c: {  	[sflag:s13] =	ssyncset.done $0x0  }
0x16d: {  	[sflag:s13] =	ssyncadd.s32 $0xFFFFF800  }
0x16e: {  	[tilespmem:s16], [sflag:$0x1] =	stream.indirect.gather [hbm4b:s6+s15], $0x80, s3, s15, $0xb8;
	[tilespmem:$0x1D000] =	vst v63  }
0x16f: {  	_ =	swait.ge [sflag:s17], $0x4000  }
0x170: {  	[sflag:s17] =	ssyncset.done $0x0  }
0x171: {  	[sflag:s17] =	ssyncadd.s32 $0xFFFFC000  }
0x172: {  	[tilespmem:s18], [sflag:$0x2] =	stream.indirect.gather [hbm4b:s6+s15], $0x80, s15, s15, $0xb8;
	[tilespmem:$0x1D000] =	vst v63  }
0x173: {  	_ = 	snop  }
0x174: {  	[spmem:s2] =	stream.indirect.scatter.add.f32 [tilespmem:s16], [sflag:$0x3], $0x80, s14, s15, $0xb8;
	[tilespmem:$0x1D000] =	vst v63  }
0x175: {  	_ =	swait.ge [sflag:s13], $0x4000  }
0x176: {  	[sflag:s13] =	ssyncset.done $0x0  }
0x177: {  	[sflag:s13] =	ssyncadd.s32 $0xFFFFC000  }
0x178: {  	_ =	swait.ge [sflag:s19], $0x4000  }
0x179: {  	[sflag:s19] =	ssyncset.done $0x0  }
0x17a: {  	s28 =	rddreg [dreg:$0x5];
	[sflag:s19] =	ssyncadd.s32 $0xFFFFC000  }
0x17b: {  	[tilespmem:s16], [sflag:$0x1] =	stream.indirect.gather [hbm4b:s6+s15], $0x80, s28, s15, $0xb8;
	[tilespmem:$0x1D000] =	vst v63  }
0x17c: {  	s28 =	simm.s32 $0x880  }
0x17d: {  	[spmem:s2] =	stream.indirect.scatter.add.f32 [tilespmem:s18], [sflag:$0x3], $0x80, s28, s15, $0xb8;
	[tilespmem:$0x1D000] =	vst v63  }
0x17e: {  	_ =	swait.ge [sflag:s13], $0x4000  }
0x17f: {  	[sflag:s13] =	ssyncset.done $0x0  }
0x180: {  	[sflag:s13] =	ssyncadd.s32 $0xFFFFC000  }
0x181: {  	_ =	swait.ge [sflag:s17], $0x4000  }
0x182: {  	[sflag:s17] =	ssyncset.done $0x0  }
0x183: {  	[sflag:s17] =	ssyncadd.s32 $0xFFFFC000  }
0x184: {  	[tilespmem:s18], [sflag:$0x2] =	stream.indirect.gather [hbm4b:s6+s15], $0x80, s0, s15, $0xb8;
	[tilespmem:$0x1D000] =	vst v63  }
0x185: {  	_ = 	snop  }
0x186: {  	[spmem:s2] =	stream.indirect.scatter.add.f32 [tilespmem:s16], [sflag:$0x3], $0x80, s1, s15, $0xb8;
	[tilespmem:$0x1D000] =	vst v63  }
0x187: {  	_ =	swait.ge [sflag:s13], $0x4000  }
0x188: {  	[sflag:s13] =	ssyncset.done $0x0  }
0x189: {  	[sflag:s13] =	ssyncadd.s32 $0xFFFFC000  }
0x18a: {  	_ =	swait.ge [sflag:s19], $0x4000  }
0x18b: {  	[sflag:s19] =	ssyncset.done $0x0  }
0x18c: {  	[sflag:s19] =	ssyncadd.s32 $0xFFFFC000  }
0x18d: {  	[tilespmem:s16], [sflag:$0x1] =	stream.indirect.gather [hbm4b:s6+s15], $0x80, s7, s15, $0xb8;
	[tilespmem:$0x1D000] =	vst v63  }
0x18e: {  	_ = 	snop  }
0x18f: {  	[spmem:s2] =	stream.indirect.scatter.add.f32 [tilespmem:s18], [sflag:$0x3], $0x80, s10, s15, $0xb8;
	[tilespmem:$0x1D000] =	vst v63  }
0x190: {  	_ =	swait.ge [sflag:s13], $0x4000  }
0x191: {  	[sflag:s13] =	ssyncset.done $0x0  }
0x192: {  	[sflag:s13] =	ssyncadd.s32 $0xFFFFC000  }
0x193: {  	_ =	swait.ge [sflag:s17], $0x4000  }
0x194: {  	[sflag:s17] =	ssyncset.done $0x0  }
0x195: {  	[sflag:s17] =	ssyncadd.s32 $0xFFFFC000  }
0x196: {  	[tilespmem:s18], [sflag:$0x2] =	stream.indirect.gather [hbm4b:s6+s15], $0x80, s11, s15, $0xb8;
	[tilespmem:$0x1D000] =	vst v63  }
0x197: {  	_ = 	snop  }
0x198: {  	[spmem:s2] =	stream.indirect.scatter.add.f32 [tilespmem:s16], [sflag:$0x3], $0x80, s8, s15, $0xb8;
	[tilespmem:$0x1D000] =	vst v63  }
0x199: {  	_ =	swait.ge [sflag:s13], $0x4000  }
0x19a: {  	[sflag:s13] =	ssyncset.done $0x0  }
0x19b: {  	[sflag:s13] =	ssyncadd.s32 $0xFFFFC000  }
0x19c: {  	_ =	swait.ge [sflag:s19], $0x4000  }
0x19d: {  	[sflag:s19] =	ssyncset.done $0x0  }
0x19e: {  	[sflag:s19] =	ssyncadd.s32 $0xFFFFC000  }
0x19f: {  	[tilespmem:s16], [sflag:$0x1] =	stream.indirect.gather [hbm4b:s6+s15], $0x80, s12, s15, $0xb8;
	[tilespmem:$0x1D000] =	vst v63  }
0x1a0: {  	_ = 	snop  }
0x1a1: {  	[spmem:s2] =	stream.indirect.scatter.add.f32 [tilespmem:s18], [sflag:$0x3], $0x80, s4, s15, $0xb8;
	[tilespmem:$0x1D000] =	vst v63  }
0x1a2: {  	_ =	swait.ge [sflag:s13], $0x4000  }
0x1a3: {  	[sflag:s13] =	ssyncset.done $0x0  }
0x1a4: {  	[sflag:s13] =	ssyncadd.s32 $0xFFFFC000  }
0x1a5: {  	_ =	swait.ge [sflag:s17], $0x4000  }
0x1a6: {  	[sflag:s17] =	ssyncset.done $0x0  }
0x1a7: {  	[sflag:s17] =	ssyncadd.s32 $0xFFFFC000  }
0x1a8: {  	[tilespmem:s18], [sflag:$0x2] =	stream.indirect.gather [hbm4b:s6+s15], $0x80, s5, s15, $0xb8;
	[tilespmem:$0x1D000] =	vst v63  }
0x1a9: {  	_ = 	snop  }
0x1aa: {  	[spmem:s2] =	stream.indirect.scatter.add.f32 [tilespmem:s16], [sflag:$0x3], $0x80, s9, s15, $0xb8;
	[tilespmem:$0x1D000] =	vst v63  }
0x1ab: {  	_ =	swait.ge [sflag:s13], $0x4000  }
0x1ac: {  	[sflag:s13] =	ssyncset.done $0x0  }
0x1ad: {  	[sflag:s13] =	ssyncadd.s32 $0xFFFFC000  }
0x1ae: {  	_ =	swait.ge [sflag:s19], $0x4000  }
0x1af: {  	[sflag:s19] =	ssyncset.done $0x0  }
0x1b0: {  	[sflag:s19] =	ssyncadd.s32 $0xFFFFC000  }
0x1b1: {  	[tilespmem:s16], [sflag:$0x1] =	stream.indirect.gather [hbm4b:s6+s15], $0x80, s20, s15, $0xb8;
	[tilespmem:$0x1D000] =	vst v63  }
0x1b2: {  	_ = 	snop  }
0x1b3: {  	[spmem:s2] =	stream.indirect.scatter.add.f32 [tilespmem:s18], [sflag:$0x3], $0x80, s21, s15, $0xb8;
	[tilespmem:$0x1D000] =	vst v63  }
0x1b4: {  	_ =	swait.ge [sflag:s13], $0x4000  }
0x1b5: {  	[sflag:s13] =	ssyncset.done $0x0  }
0x1b6: {  	[sflag:s13] =	ssyncadd.s32 $0xFFFFC000  }
0x1b7: {  	_ =	swait.ge [sflag:s17], $0x4000  }
0x1b8: {  	[sflag:s17] =	ssyncset.done $0x0  }
0x1b9: {  	[sflag:s17] =	ssyncadd.s32 $0xFFFFC000  }
0x1ba: {  	[tilespmem:s18], [sflag:$0x2] =	stream.indirect.gather [hbm4b:s6+s15], $0x80, s22, s15, $0xb8;
	[tilespmem:$0x1D000] =	vst v63  }
0x1bb: {  	_ = 	snop  }
0x1bc: {  	[spmem:s2] =	stream.indirect.scatter.add.f32 [tilespmem:s16], [sflag:$0x3], $0x80, s23, s15, $0xb8;
	[tilespmem:$0x1D000] =	vst v63  }
0x1bd: {  	_ =	swait.ge [sflag:s13], $0x4000  }
0x1be: {  	[sflag:s13] =	ssyncset.done $0x0  }
0x1bf: {  	[sflag:s13] =	ssyncadd.s32 $0xFFFFC000  }
0x1c0: {  	_ =	swait.ge [sflag:s19], $0x4000  }
0x1c1: {  	[sflag:s19] =	ssyncset.done $0x0  }
0x1c2: {  	[sflag:s19] =	ssyncadd.s32 $0xFFFFC000  }
0x1c3: {  	[tilespmem:s16], [sflag:$0x1] =	stream.indirect.gather [hbm4b:s6+s15], $0x80, s24, s15, $0xb8;
	[tilespmem:$0x1D000] =	vst v63  }
0x1c4: {  	_ = 	snop  }
0x1c5: {  	[spmem:s2] =	stream.indirect.scatter.add.f32 [tilespmem:s18], [sflag:$0x3], $0x80, s25, s15, $0xb8;
	[tilespmem:$0x1D000] =	vst v63  }
0x1c6: {  	_ =	swait.ge [sflag:s13], $0x4000  }
0x1c7: {  	[sflag:s13] =	ssyncset.done $0x0  }
0x1c8: {  	[sflag:s13] =	ssyncadd.s32 $0xFFFFC000  }
0x1c9: {  	_ =	swait.ge [sflag:s17], $0x4000  }
0x1ca: {  	[sflag:s17] =	ssyncset.done $0x0  }
0x1cb: {  	[sflag:s17] =	ssyncadd.s32 $0xFFFFC000  }
0x1cc: {  	[tilespmem:s18], [sflag:$0x2] =	stream.indirect.gather [hbm4b:s6+s15], $0x80, s26, s15, $0xb8;
	[tilespmem:$0x1D000] =	vst v63  }
0x1cd: {  	s28 =	simm.s32 $0xD00  }
0x1ce: {  	[spmem:s2] =	stream.indirect.scatter.add.f32 [tilespmem:s16], [sflag:$0x3], $0x80, s28, s15, $0xb8;
	[tilespmem:$0x1D000] =	vst v63  }
0x1cf: {  	_ =	swait.ge [sflag:s13], $0x4000  }
0x1d0: {  	[sflag:s13] =	ssyncset.done $0x0  }
0x1d1: {  	[sflag:s13] =	ssyncadd.s32 $0xFFFFC000  }
0x1d2: {  	_ =	swait.ge [sflag:s19], $0x4000  }
0x1d3: {  	[sflag:s19] =	ssyncset.done $0x0  }
0x1d4: {  	s28 =	simm.s32 $0x600;
	[sflag:s19] =	ssyncadd.s32 $0xFFFFC000  }
0x1d5: {  	[tilespmem:s16], [sflag:$0x1] =	stream.indirect.gather [hbm4b:s6+s15], $0x80, s28, s15, $0xb8;
	[tilespmem:$0x1D000] =	vst v63  }
0x1d6: {  	s28 =	simm.s32 $0xD80  }
0x1d7: {  	[spmem:s2] =	stream.indirect.scatter.add.f32 [tilespmem:s18], [sflag:$0x3], $0x80, s28, s15, $0xb8;
	[tilespmem:$0x1D000] =	vst v63  }
0x1d8: {  	_ =	swait.ge [sflag:s13], $0x4000  }
0x1d9: {  	[sflag:s13] =	ssyncset.done $0x0  }
0x1da: {  	[sflag:s13] =	ssyncadd.s32 $0xFFFFC000  }
0x1db: {  	_ =	swait.ge [sflag:s17], $0x4000  }
0x1dc: {  	[sflag:s17] =	ssyncset.done $0x0  }
0x1dd: {  	s28 =	simm.s32 $0x680;
	[sflag:s17] =	ssyncadd.s32 $0xFFFFC000  }
0x1de: {  	[tilespmem:s18], [sflag:$0x2] =	stream.indirect.gather [hbm4b:s6+s15], $0x80, s28, s15, $0xb8;
	[tilespmem:$0x1D000] =	vst v63  }
0x1df: {  	s28 =	simm.s32 $0xE00  }
0x1e0: {  	[spmem:s2] =	stream.indirect.scatter.add.f32 [tilespmem:s16], [sflag:$0x3], $0x80, s28, s15, $0xb8;
	[tilespmem:$0x1D000] =	vst v63  }
0x1e1: {  	_ =	swait.ge [sflag:s13], $0x4000  }
0x1e2: {  	[sflag:s13] =	ssyncset.done $0x0  }
0x1e3: {  	[sflag:s13] =	ssyncadd.s32 $0xFFFFC000  }
0x1e4: {  	_ =	swait.ge [sflag:s19], $0x4000  }
0x1e5: {  	[sflag:s19] =	ssyncset.done $0x0  }
0x1e6: {  	s28 =	simm.s32 $0x700;
	[sflag:s19] =	ssyncadd.s32 $0xFFFFC000  }
0x1e7: {  	[tilespmem:s16], [sflag:$0x1] =	stream.indirect.gather [hbm4b:s6+s15], $0x80, s28, s15, $0xb8;
	[tilespmem:$0x1D000] =	vst v63  }
0x1e8: {  	s28 =	simm.s32 $0xE80  }
0x1e9: {  	[spmem:s2] =	stream.indirect.scatter.add.f32 [tilespmem:s18], [sflag:$0x3], $0x80, s28, s15, $0xb8;
	[tilespmem:$0x1D000] =	vst v63  }
0x1ea: {  	_ =	swait.ge [sflag:s13], $0x4000  }
0x1eb: {  	[sflag:s13] =	ssyncset.done $0x0  }
0x1ec: {  	[sflag:s13] =	ssyncadd.s32 $0xFFFFC000  }
0x1ed: {  	_ =	swait.ge [sflag:s17], $0x4000  }
0x1ee: {  	[sflag:s17] =	ssyncset.done $0x0  }
0x1ef: {  	s28 =	simm.s32 $0x780;
	[sflag:s17] =	ssyncadd.s32 $0xFFFFC000  }
0x1f0: {  	[tilespmem:s18], [sflag:$0x2] =	stream.indirect.gather [hbm4b:s6+s15], $0x80, s28, s15, $0xb8;
	[tilespmem:$0x1D000] =	vst v63  }
0x1f1: {  	s28 =	simm.s32 $0xF00  }
0x1f2: {  	[spmem:s2] =	stream.indirect.scatter.add.f32 [tilespmem:s16], [sflag:$0x3], $0x80, s28, s15, $0xb8;
	[tilespmem:$0x1D000] =	vst v63  }
0x1f3: {  	_ =	swait.ge [sflag:s13], $0x4000  }
0x1f4: {  	[sflag:s13] =	ssyncset.done $0x0  }
0x1f5: {  	[sflag:s13] =	ssyncadd.s32 $0xFFFFC000  }
0x1f6: {  	_ =	swait.ge [sflag:s19], $0x4000  }
0x1f7: {  	[sflag:s19] =	ssyncset.done $0x0  }
0x1f8: {  	s28 =	simm.s32 $0xF80;
	[sflag:s19] =	ssyncadd.s32 $0xFFFFC000  }
0x1f9: {  	[spmem:s2] =	stream.indirect.scatter.add.f32 [tilespmem:s18], [sflag:$0x3], $0x80, s28, s15, $0xb8;
	[tilespmem:$0x1D000] =	vst v63  }
0x1fa: {  	s29 =	simm.s32 $0x200;
	_ =	swait.ge [sflag:s13], $0x4000  }
0x1fb: {  	s28 =	simm.s32 $0x100;
	s30 =	rddreg [dreg:$0x4];
	[sflag:s13] =	ssyncset.done $0x0  }
.LBB2_3:
0x1fc: {  	[sflag:s13] =	ssyncadd.s32 $0xFFFFC000;
	s30 =	sadd.s32 s28, s30  }
0x1fd: {  	[tilespmem:s3], [sflag:$0x3] =	stream.linear.gather [hbm4b:s30+s3], $0x800, $0x38;
	[tilespmem:$0x1D000] =	vst v63  }
0x1fe: {  	_ =	swait.ge [sflag:s13], $0x800  }
0x1ff: {  	s30 =	rddreg [dreg:$0x3];
	[sflag:s13] =	ssyncset.done $0x0  }
0x200: {  	[sflag:s13] =	ssyncadd.s32 $0xFFFFF800;
	s30 =	sadd.s32 s28, s30  }
0x201: {  	[tilespmem:s14], [sflag:$0x3] =	stream.linear.gather [hbm4b:s30+s3], $0x800, $0x38;
	[tilespmem:$0x1D000] =	vst v63  }
0x202: {  	_ =	swait.ge [sflag:s13], $0x800  }
0x203: {  	[sflag:s13] =	ssyncset.done $0x0  }
0x204: {  	[sflag:s13] =	ssyncadd.s32 $0xFFFFF800  }
0x205: {  	[tilespmem:s16], [sflag:$0x1] =	stream.indirect.gather [hbm4b:s6+s15], $0x80, s3, s15, $0xb8;
	[tilespmem:$0x1D000] =	vst v63  }
0x206: {  	_ =	swait.ge [sflag:s17], $0x4000  }
0x207: {  	[sflag:s17] =	ssyncset.done $0x0  }
0x208: {  	[sflag:s17] =	ssyncadd.s32 $0xFFFFC000  }
0x209: {  	[tilespmem:s18], [sflag:$0x2] =	stream.indirect.gather [hbm4b:s6+s15], $0x80, s15, s15, $0xb8;
	[tilespmem:$0x1D000] =	vst v63  }
0x20a: {  	_ = 	snop  }
0x20b: {  	[spmem:s2] =	stream.indirect.scatter.add.f32 [tilespmem:s16], [sflag:$0x3], $0x80, s14, s15, $0xb8;
	[tilespmem:$0x1D000] =	vst v63  }
0x20c: {  	_ =	swait.ge [sflag:s13], $0x4000  }
0x20d: {  	[sflag:s13] =	ssyncset.done $0x0  }
0x20e: {  	[sflag:s13] =	ssyncadd.s32 $0xFFFFC000  }
0x20f: {  	_ =	swait.ge [sflag:s19], $0x4000  }
0x210: {  	[sflag:s19] =	ssyncset.done $0x0  }
0x211: {  	s31 =	smov.u32 s29;
	s30 =	rddreg [dreg:$0x5];
	[sflag:s19] =	ssyncadd.s32 $0xFFFFC000  }
0x212: {  	[tilespmem:s16], [sflag:$0x1] =	stream.indirect.gather [hbm4b:s6+s15], $0x80, s30, s15, $0xb8;
	[tilespmem:$0x1D000] =	vst v63  }
0x213: {  	s28 =	smov.u32 s31;
	s31 =	simm.s32 $0x880  }
0x214: {  	[spmem:s2] =	stream.indirect.scatter.add.f32 [tilespmem:s18], [sflag:$0x3], $0x80, s31, s15, $0xb8;
	[tilespmem:$0x1D000] =	vst v63  }
0x215: {  	_ =	swait.ge [sflag:s13], $0x4000  }
0x216: {  	[sflag:s13] =	ssyncset.done $0x0  }
0x217: {  	[sflag:s13] =	ssyncadd.s32 $0xFFFFC000  }
0x218: {  	_ =	swait.ge [sflag:s17], $0x4000  }
0x219: {  	[sflag:s17] =	ssyncset.done $0x0  }
0x21a: {  	[sflag:s17] =	ssyncadd.s32 $0xFFFFC000  }
0x21b: {  	[tilespmem:s18], [sflag:$0x2] =	stream.indirect.gather [hbm4b:s6+s15], $0x80, s0, s15, $0xb8;
	[tilespmem:$0x1D000] =	vst v63  }
0x21c: {  	_ = 	snop  }
0x21d: {  	[spmem:s2] =	stream.indirect.scatter.add.f32 [tilespmem:s16], [sflag:$0x3], $0x80, s1, s15, $0xb8;
	[tilespmem:$0x1D000] =	vst v63  }
0x21e: {  	_ =	swait.ge [sflag:s13], $0x4000  }
0x21f: {  	[sflag:s13] =	ssyncset.done $0x0  }
0x220: {  	[sflag:s13] =	ssyncadd.s32 $0xFFFFC000  }
0x221: {  	_ =	swait.ge [sflag:s19], $0x4000  }
0x222: {  	[sflag:s19] =	ssyncset.done $0x0  }
0x223: {  	[sflag:s19] =	ssyncadd.s32 $0xFFFFC000  }
0x224: {  	[tilespmem:s16], [sflag:$0x1] =	stream.indirect.gather [hbm4b:s6+s15], $0x80, s7, s15, $0xb8;
	[tilespmem:$0x1D000] =	vst v63  }
0x225: {  	_ = 	snop  }
0x226: {  	[spmem:s2] =	stream.indirect.scatter.add.f32 [tilespmem:s18], [sflag:$0x3], $0x80, s10, s15, $0xb8;
	[tilespmem:$0x1D000] =	vst v63  }
0x227: {  	_ =	swait.ge [sflag:s13], $0x4000  }
0x228: {  	[sflag:s13] =	ssyncset.done $0x0  }
0x229: {  	[sflag:s13] =	ssyncadd.s32 $0xFFFFC000  }
0x22a: {  	_ =	swait.ge [sflag:s17], $0x4000  }
0x22b: {  	[sflag:s17] =	ssyncset.done $0x0  }
0x22c: {  	[sflag:s17] =	ssyncadd.s32 $0xFFFFC000  }
0x22d: {  	[tilespmem:s18], [sflag:$0x2] =	stream.indirect.gather [hbm4b:s6+s15], $0x80, s11, s15, $0xb8;
	[tilespmem:$0x1D000] =	vst v63  }
0x22e: {  	_ = 	snop  }
0x22f: {  	[spmem:s2] =	stream.indirect.scatter.add.f32 [tilespmem:s16], [sflag:$0x3], $0x80, s8, s15, $0xb8;
	[tilespmem:$0x1D000] =	vst v63  }
0x230: {  	_ =	swait.ge [sflag:s13], $0x4000  }
0x231: {  	[sflag:s13] =	ssyncset.done $0x0  }
0x232: {  	[sflag:s13] =	ssyncadd.s32 $0xFFFFC000  }
0x233: {  	_ =	swait.ge [sflag:s19], $0x4000  }
0x234: {  	[sflag:s19] =	ssyncset.done $0x0  }
0x235: {  	[sflag:s19] =	ssyncadd.s32 $0xFFFFC000  }
0x236: {  	[tilespmem:s16], [sflag:$0x1] =	stream.indirect.gather [hbm4b:s6+s15], $0x80, s12, s15, $0xb8;
	[tilespmem:$0x1D000] =	vst v63  }
0x237: {  	_ = 	snop  }
0x238: {  	[spmem:s2] =	stream.indirect.scatter.add.f32 [tilespmem:s18], [sflag:$0x3], $0x80, s4, s15, $0xb8;
	[tilespmem:$0x1D000] =	vst v63  }
0x239: {  	_ =	swait.ge [sflag:s13], $0x4000  }
0x23a: {  	[sflag:s13] =	ssyncset.done $0x0  }
0x23b: {  	[sflag:s13] =	ssyncadd.s32 $0xFFFFC000  }
0x23c: {  	_ =	swait.ge [sflag:s17], $0x4000  }
0x23d: {  	[sflag:s17] =	ssyncset.done $0x0  }
0x23e: {  	[sflag:s17] =	ssyncadd.s32 $0xFFFFC000  }
0x23f: {  	[tilespmem:s18], [sflag:$0x2] =	stream.indirect.gather [hbm4b:s6+s15], $0x80, s5, s15, $0xb8;
	[tilespmem:$0x1D000] =	vst v63  }
0x240: {  	_ = 	snop  }
0x241: {  	[spmem:s2] =	stream.indirect.scatter.add.f32 [tilespmem:s16], [sflag:$0x3], $0x80, s9, s15, $0xb8;
	[tilespmem:$0x1D000] =	vst v63  }
0x242: {  	_ =	swait.ge [sflag:s13], $0x4000  }
0x243: {  	[sflag:s13] =	ssyncset.done $0x0  }
0x244: {  	[sflag:s13] =	ssyncadd.s32 $0xFFFFC000  }
0x245: {  	_ =	swait.ge [sflag:s19], $0x4000  }
0x246: {  	[sflag:s19] =	ssyncset.done $0x0  }
0x247: {  	[sflag:s19] =	ssyncadd.s32 $0xFFFFC000  }
0x248: {  	[tilespmem:s16], [sflag:$0x1] =	stream.indirect.gather [hbm4b:s6+s15], $0x80, s20, s15, $0xb8;
	[tilespmem:$0x1D000] =	vst v63  }
0x249: {  	_ = 	snop  }
0x24a: {  	[spmem:s2] =	stream.indirect.scatter.add.f32 [tilespmem:s18], [sflag:$0x3], $0x80, s21, s15, $0xb8;
	[tilespmem:$0x1D000] =	vst v63  }
0x24b: {  	_ =	swait.ge [sflag:s13], $0x4000  }
0x24c: {  	[sflag:s13] =	ssyncset.done $0x0  }
0x24d: {  	[sflag:s13] =	ssyncadd.s32 $0xFFFFC000  }
0x24e: {  	_ =	swait.ge [sflag:s17], $0x4000  }
0x24f: {  	[sflag:s17] =	ssyncset.done $0x0  }
0x250: {  	[sflag:s17] =	ssyncadd.s32 $0xFFFFC000  }
0x251: {  	[tilespmem:s18], [sflag:$0x2] =	stream.indirect.gather [hbm4b:s6+s15], $0x80, s22, s15, $0xb8;
	[tilespmem:$0x1D000] =	vst v63  }
0x252: {  	_ = 	snop  }
0x253: {  	[spmem:s2] =	stream.indirect.scatter.add.f32 [tilespmem:s16], [sflag:$0x3], $0x80, s23, s15, $0xb8;
	[tilespmem:$0x1D000] =	vst v63  }
0x254: {  	_ =	swait.ge [sflag:s13], $0x4000  }
0x255: {  	[sflag:s13] =	ssyncset.done $0x0  }
0x256: {  	[sflag:s13] =	ssyncadd.s32 $0xFFFFC000  }
0x257: {  	_ =	swait.ge [sflag:s19], $0x4000  }
0x258: {  	[sflag:s19] =	ssyncset.done $0x0  }
0x259: {  	[sflag:s19] =	ssyncadd.s32 $0xFFFFC000  }
0x25a: {  	[tilespmem:s16], [sflag:$0x1] =	stream.indirect.gather [hbm4b:s6+s15], $0x80, s24, s15, $0xb8;
	[tilespmem:$0x1D000] =	vst v63  }
0x25b: {  	_ = 	snop  }
0x25c: {  	[spmem:s2] =	stream.indirect.scatter.add.f32 [tilespmem:s18], [sflag:$0x3], $0x80, s25, s15, $0xb8;
	[tilespmem:$0x1D000] =	vst v63  }
0x25d: {  	_ =	swait.ge [sflag:s13], $0x4000  }
0x25e: {  	[sflag:s13] =	ssyncset.done $0x0  }
0x25f: {  	[sflag:s13] =	ssyncadd.s32 $0xFFFFC000  }
0x260: {  	_ =	swait.ge [sflag:s17], $0x4000  }
0x261: {  	[sflag:s17] =	ssyncset.done $0x0  }
0x262: {  	[sflag:s17] =	ssyncadd.s32 $0xFFFFC000  }
0x263: {  	[tilespmem:s18], [sflag:$0x2] =	stream.indirect.gather [hbm4b:s6+s15], $0x80, s26, s15, $0xb8;
	[tilespmem:$0x1D000] =	vst v63  }
0x264: {  	s30 =	simm.s32 $0xD00  }
0x265: {  	[spmem:s2] =	stream.indirect.scatter.add.f32 [tilespmem:s16], [sflag:$0x3], $0x80, s30, s15, $0xb8;
	[tilespmem:$0x1D000] =	vst v63  }
0x266: {  	_ =	swait.ge [sflag:s13], $0x4000  }
0x267: {  	[sflag:s13] =	ssyncset.done $0x0  }
0x268: {  	[sflag:s13] =	ssyncadd.s32 $0xFFFFC000  }
0x269: {  	_ =	swait.ge [sflag:s19], $0x4000  }
0x26a: {  	[sflag:s19] =	ssyncset.done $0x0  }
0x26b: {  	s30 =	simm.s32 $0x600;
	[sflag:s19] =	ssyncadd.s32 $0xFFFFC000  }
0x26c: {  	[tilespmem:s16], [sflag:$0x1] =	stream.indirect.gather [hbm4b:s6+s15], $0x80, s30, s15, $0xb8;
	[tilespmem:$0x1D000] =	vst v63  }
0x26d: {  	s30 =	simm.s32 $0xD80  }
0x26e: {  	[spmem:s2] =	stream.indirect.scatter.add.f32 [tilespmem:s18], [sflag:$0x3], $0x80, s30, s15, $0xb8;
	[tilespmem:$0x1D000] =	vst v63  }
0x26f: {  	_ =	swait.ge [sflag:s13], $0x4000  }
0x270: {  	[sflag:s13] =	ssyncset.done $0x0  }
0x271: {  	[sflag:s13] =	ssyncadd.s32 $0xFFFFC000  }
0x272: {  	_ =	swait.ge [sflag:s17], $0x4000  }
0x273: {  	[sflag:s17] =	ssyncset.done $0x0  }
0x274: {  	s30 =	simm.s32 $0x680;
	[sflag:s17] =	ssyncadd.s32 $0xFFFFC000  }
0x275: {  	[tilespmem:s18], [sflag:$0x2] =	stream.indirect.gather [hbm4b:s6+s15], $0x80, s30, s15, $0xb8;
	[tilespmem:$0x1D000] =	vst v63  }
0x276: {  	s30 =	simm.s32 $0xE00  }
0x277: {  	[spmem:s2] =	stream.indirect.scatter.add.f32 [tilespmem:s16], [sflag:$0x3], $0x80, s30, s15, $0xb8;
	[tilespmem:$0x1D000] =	vst v63  }
0x278: {  	_ =	swait.ge [sflag:s13], $0x4000  }
0x279: {  	[sflag:s13] =	ssyncset.done $0x0  }
0x27a: {  	[sflag:s13] =	ssyncadd.s32 $0xFFFFC000  }
0x27b: {  	_ =	swait.ge [sflag:s19], $0x4000  }
0x27c: {  	[sflag:s19] =	ssyncset.done $0x0  }
0x27d: {  	s30 =	simm.s32 $0x700;
	[sflag:s19] =	ssyncadd.s32 $0xFFFFC000  }
0x27e: {  	[tilespmem:s16], [sflag:$0x1] =	stream.indirect.gather [hbm4b:s6+s15], $0x80, s30, s15, $0xb8;
	[tilespmem:$0x1D000] =	vst v63  }
0x27f: {  	s30 =	simm.s32 $0xE80  }
0x280: {  	[spmem:s2] =	stream.indirect.scatter.add.f32 [tilespmem:s18], [sflag:$0x3], $0x80, s30, s15, $0xb8;
	[tilespmem:$0x1D000] =	vst v63  }
0x281: {  	_ =	swait.ge [sflag:s13], $0x4000  }
0x282: {  	[sflag:s13] =	ssyncset.done $0x0  }
0x283: {  	[sflag:s13] =	ssyncadd.s32 $0xFFFFC000  }
0x284: {  	_ =	swait.ge [sflag:s17], $0x4000  }
0x285: {  	[sflag:s17] =	ssyncset.done $0x0  }
0x286: {  	s30 =	simm.s32 $0x780;
	[sflag:s17] =	ssyncadd.s32 $0xFFFFC000  }
0x287: {  	[tilespmem:s18], [sflag:$0x2] =	stream.indirect.gather [hbm4b:s6+s15], $0x80, s30, s15, $0xb8;
	[tilespmem:$0x1D000] =	vst v63  }
0x288: {  	s30 =	simm.s32 $0xF00  }
0x289: {  	[spmem:s2] =	stream.indirect.scatter.add.f32 [tilespmem:s16], [sflag:$0x3], $0x80, s30, s15, $0xb8;
	[tilespmem:$0x1D000] =	vst v63  }
0x28a: {  	_ =	swait.ge [sflag:s13], $0x4000  }
0x28b: {  	[sflag:s13] =	ssyncset.done $0x0  }
0x28c: {  	[sflag:s13] =	ssyncadd.s32 $0xFFFFC000  }
0x28d: {  	p1 =	seq.s32 s29, $0x700;
	_ =	swait.ge [sflag:s19], $0x4000  }
.Ltmp5:
0x28e: {  	[sflag:s19] =	ssyncset.done $0x0;
	(pc) =	sbr.rel @!p1 .LBB2_3-.Ltmp5, $4  }
0x28f: {  	s30 =	simm.s32 $0xF80;
	[sflag:s19] =	ssyncadd.s32 $0xFFFFC000  }
0x290: {  	[spmem:s2] =	stream.indirect.scatter.add.f32 [tilespmem:s18], [sflag:$0x3], $0x80, s30, s15, $0xb8;
	[tilespmem:$0x1D000] =	vst v63  }
0x291: {  	_ =	swait.ge [sflag:s13], $0x4000  }
0x292: {  	s29 =	sadd.s32 $0x100, s29;
	s30 =	rddreg [dreg:$0x4];
	[sflag:s13] =	ssyncset.done $0x0  }
.Ltmp6:
0x293: {  	_ = 	snop;
	(pc) =	sbr.rel .LBB2_4-.Ltmp6, $1  }
0x294: {  	_ =	sdelay $0x3  }
.LBB2_7:
0x295: {  	_ =	sfence.sel $0x180000  }
0x296: {  	[bflag:$0x0] =	sbarrier.arrive $0xFFFF  }
0x297: {  	_ =	strace $0x9000004A  }
0x298: {  	s0 =	stileid.u32;
	[bflag:$0x2] =	sbarrier.arrive $0xFFFF  }
0x299: {  	p0 =	sne.s32 s0, $0x0;
	s0 =	rddreg [dreg:$0x2]  }
0x29a: {  	s0 =	sadd.s32 @!p0 $0x100000, s0  }
0x29b: {  	[sflag:s0] =	ssyncadd.tile.s32 @!p0 $0x1;
	_ =	shalt  }
.Lfunc_end2:
_tile_overlayer_lowered:
.L_overlay_start_2:
0x29c: {  	(tag) =	ssettag $0x2  }
0x29d: {  	s0 =	rddreg [dreg:$0x0];
	s2 =	stileid.u32  }
0x29e: {  	s1 =	rddreg [dreg:$0x1];
	p0 =	sne.s32 s2, $0x0  }
0x29f: {  	s3 =	rddreg [dreg:$0x2];
	[bflag:$0x3] =	sbarrier.arrive $0xFFFF;
	s2 =	simm.s32 @!p0 $0x1C03  }
0x2a0: {  	[timem:s3], [sflag:s2] =	dma.local @!p0 [hbm:s0], s1  }
0x2a1: {  	s0 =	simm.s32 @!p0 $0x3  }
0x2a2: {  	_ =	swait.ge @!p0 [sflag:s0], s1  }
0x2a3: {  	s1 =	ssub.s32 @!p0 $0x0, s1;
	[sflag:s0] =	ssyncset.done @!p0 $0x0  }
0x2a4: {  	[sflag:s0] =	ssyncadd.s32 @!p0 s1  }
0x2a5: {  	[bflag:$0x3] =	sbarrier.arrive $0xFFFF  }
0x2a6: {  	_ =	shalt  }

</sc_bundles>
